<compile_context>
chip_gen: v7x
topology: tpu7x:2x2x1
jax: 0.10.2.dev20260603
libtpu: 0.0.44.dev20260713+nightly
codegen_flags: <defaults>
</compile_context>

<pallas_src>
import functools

import jax
import jax.numpy as jnp
from jax import lax
from jax.experimental import pallas as pl
from jax.experimental.pallas import tpu as pltpu
from jax.experimental.pallas import tpu_sc as plsc

_NC = 2
_NS = 16
_L = 16


def _argmax_body(k_total, hm_ref, val_ref, idx_ref):
    x = hm_ref[0]
    kb, h, w = x.shape
    j = pl.program_id(1)
    m1 = jnp.max(x, axis=1)
    m2 = jnp.max(m1, axis=1)
    ih = lax.broadcasted_iota(jnp.int32, (1, h, w), 1)
    iw = lax.broadcasted_iota(jnp.int32, (1, h, w), 2)
    flatf = (ih * w + iw).astype(jnp.float32)
    cand = jnp.where(x == m2[:, None, None], flatf, float(h * w))
    first = jnp.min(cand, axis=(1, 2)).astype(jnp.int32)
    kid = j * kb + lax.broadcasted_iota(jnp.int32, (kb,), 0)
    valid = kid < k_total
    val_ref[0, 0] = jnp.where(valid, m2, 0.0)
    idx_ref[0, 0] = jnp.where(valid, first, 0)


def _tc_argmax(hm, kp, kb=16):
    b, k, h, w = hm.shape
    nk = kp // kb
    vals, idx = pl.pallas_call(
        functools.partial(_argmax_body, k),
        grid=(b, nk),
        in_specs=[pl.BlockSpec((1, kb, h, w), lambda i, j: (i, j, 0, 0))],
        out_specs=[
            pl.BlockSpec((1, 1, kb), lambda i, j: (i * nk + j, 0, 0)),
            pl.BlockSpec((1, 1, kb), lambda i, j: (i * nk + j, 0, 0)),
        ],
        out_shape=[
            jax.ShapeDtypeStruct((b * nk, 1, kb), jnp.float32),
            jax.ShapeDtypeStruct((b * nk, 1, kb), jnp.int32),
        ],
    )(hm)
    return vals.reshape(b, kp), idx.reshape(b, kp)


def _sc_loss_body(n_ch, kp, pred_ref, gt_ref, idx_ref, vals_ref, out_ref,
                  pred_v, gt_v, idx_v, vals_v, out_v):
    b_count, k_real = gt_ref.shape[0], gt_ref.shape[1]
    w = pred_ref.shape[3]
    shift = w.bit_length() - 1
    wid = lax.axis_index("s") * _NC + lax.axis_index("c")

    @pl.when(wid < b_count)
    def _():
        b = wid
        pltpu.sync_copy(pred_ref.at[b, pl.ds(0, n_ch)], pred_v)
        pltpu.sync_copy(gt_ref.at[b], gt_v.at[pl.ds(0, k_real)])
        pltpu.sync_copy(idx_ref.at[b], idx_v)
        pltpu.sync_copy(vals_ref.at[b], vals_v)
        lanes = lax.broadcasted_iota(jnp.int32, (_L,), 0)
        acc = jnp.zeros((_L,), jnp.float32)
        for kc in range(kp // _L):
            sl = pl.ds(kc * _L, _L)
            i16 = idx_v[sl]
            v16 = vals_v[sl]
            x16 = lax.shift_right_logical(i16, shift)
            y16 = lax.bitwise_and(i16, w - 1)
            kk = kc * _L + lanes
            cl = jnp.zeros((_L,), jnp.float32)
            for c in range(n_ch):
                cvec = jnp.full((_L,), c, jnp.int32)
                g = plsc.load_gather(pred_v, [cvec, x16, y16])
                t = plsc.load_gather(gt_v, [kk, cvec])
                d = g - t
                cl = cl + d * d
            acc = acc + jnp.where(v16 == 1.0, cl, 0.0)
        tot = jnp.sum(acc)
        out_v[...] = jnp.full((_L,), tot, jnp.float32)
        pltpu.sync_copy(out_v, out_ref.at[b])


def kernel(pred, gt, heatmap):
    B, K, H, W = heatmap.shape
    HW = H * W
    n_ch = 7
    kp = ((K + _L - 1) // _L) * _L

    valsp, idxp = _tc_argmax(heatmap, kp)

    sck = pl.kernel(
        functools.partial(_sc_loss_body, n_ch, kp),
        out_type=jax.ShapeDtypeStruct((B, _L), jnp.float32),
        mesh=plsc.VectorSubcoreMesh(core_axis_name="c", subcore_axis_name="s"),
        compiler_params=pltpu.CompilerParams(needs_layout_passes=False),
        scratch_types=[
            pltpu.VMEM((n_ch, H, W), jnp.float32),
            pltpu.VMEM((kp, gt.shape[2]), jnp.float32),
            pltpu.VMEM((kp,), jnp.int32),
            pltpu.VMEM((kp,), jnp.float32),
            pltpu.VMEM((_L,), jnp.float32),
        ],
    )
    out2 = sck(pred, gt, idxp, valsp)
    return out2[:, 0]

# --- scband reference (transcript-rebuilt; emitter-appended) ---
"""Pipeline reference for scband-label-loss-33234456937090 (READ-ONLY COPY).

The authoritative reference and input builder live on the scoring server;
editing this copy changes nothing except your own understanding.
"""

import jax, jax.numpy as jnp
import numpy as np


def setup_inputs(seed: int = 0) -> dict:
    key = jax.random.key(seed)
    k1, k2 = jax.random.split(key)
    pred = jax.random.normal(k1, (8, 8, 128, 128), dtype=jnp.float32)
    gt = jax.random.normal(k2, (8, 100, 8), dtype=jnp.float32)
    # ones so that the peak value equals exactly 1 and the loss branch is active,
    # matching the original semantics where the gt heatmap peak is 1.
    heatmap = jnp.ones((8, 100, 128, 128), dtype=jnp.float32)
    return {"pred": pred, "gt": gt, "heatmap": heatmap}


def reference(pred, gt, heatmap):
    # Faithful vectorized translation of LabelLoss.forward.
    B, K, H, W = heatmap.shape
    m = H  # original code uses m = size[2] for both x and y decoding (square maps)
    flat = heatmap.reshape(B, K, H * W)
    idx = jnp.argmax(flat, axis=-1)            # [B, K] flat argmax per (image, slot)
    x = idx // m
    y = idx % m
    vals = jnp.take_along_axis(flat, idx[..., None], axis=-1)[..., 0]  # a[x, y]
    mask = (vals == 1.0)                        # only peaks exactly equal to 1 count
    b_idx = jnp.arange(B)[:, None]              # [B, 1]
    p7 = pred[:, 0:7]                           # [B, 7, H, W]
    gathered = p7[b_idx, :, x, y]               # [B, K, 7] = pred[b, 0:7, x, y]
    class_loss = ((gathered - gt[:, :, 0:7]) ** 2).sum(axis=-1)  # [B, K]
    loss = jnp.where(mask, class_loss, 0.0).sum(axis=-1)         # [B]
    return loss.astype(jnp.float32)

if __name__ == "__main__":
    import jax
    _d = setup_inputs()
    print(jax.jit(kernel)(*tuple(_d.values())))

</pallas_src>

<mosaic_0001>
#map = affine_map<(d0, d1) -> (0, 0, 0, 0)>
#map1 = affine_map<(d0, d1) -> (0, 0, 0)>
#map2 = affine_map<(d0, d1) -> (0, 0)>
module attributes {stable_mosaic.version = 14 : i64} {
  func.func @_sc_loss_body(%arg0: i32, %arg1: i32, %arg2: memref<8x8x128x128xf32, #tpu.memory_space<hbm>>, %arg3: memref<8x100x8xf32, #tpu.memory_space<hbm>>, %arg4: memref<8x112xi32, #tpu.memory_space<hbm>>, %arg5: memref<8x112xf32, #tpu.memory_space<hbm>>, %arg6: memref<8x16xf32, #tpu.memory_space<hbm>>, %arg7: memref<7x128x128xf32, #tpu.memory_space<vmem>>, %arg8: memref<112x8xf32, #tpu.memory_space<vmem>>, %arg9: memref<112xi32, #tpu.memory_space<vmem>>, %arg10: memref<112xf32, #tpu.memory_space<vmem>>, %arg11: memref<16xf32, #tpu.memory_space<vmem>>) attributes {dimension_semantics = [#tpu.dimension_semantics<core_parallel>, #tpu.dimension_semantics<subcore_parallel>], iteration_bounds = array<i64: 2, 16>, scalar_prefetch = 0 : i64, scratch_operands = 5 : i64, tpu.core_type = #tpu.core_type<sc_vector_subcore>, window_params = [{transform_indices = #map}, {transform_indices = #map1}, {transform_indices = #map2}, {transform_indices = #map2}, {transform_indices = #map2}]} {
    %mul3A = arith.constant 2 : i32
    %mul3A_0 = arith.muli %arg1, %mul3A : i32
    %add3A = arith.addi %mul3A_0, %arg0 : i32
    %lt3A = arith.constant 8 : i32
    %lt3A_1 = arith.cmpi slt, %add3A, %lt3A : i32
    %convert_element_type3A = arith.extui %lt3A_1 : i1 to i32
    %cond3A = arith.constant 0 : i32
    %cond3A_2 = arith.cmpi ne, %convert_element_type3A, %cond3A : i32
    scf.if %cond3A_2 {
      "tpu.region"() ({
        %run_scoped3A = tpu.sem_alloc : memref<!tpu.dma_semaphore, #tpu.memory_space<semaphore_mem>>
        %dma_start3A = arith.constant 0 : i32
        %dma_start3A_498 = arith.constant 0 : i32
        %dma_start3A_499 = arith.constant 0 : i32
        %dma_start3A_500 = tpu.memref_slice %arg2[%add3A, %dma_start3A, %dma_start3A_498, %dma_start3A_499] : memref<8x8x128x128xf32, #tpu.memory_space<hbm>> -> memref<1x7x128x128xf32, #tpu.memory_space<hbm>>
        %dma_start3A_501 = tpu.memref_squeeze %dma_start3A_500 : memref<1x7x128x128xf32, #tpu.memory_space<hbm>> -> memref<7x128x128xf32, #tpu.memory_space<hbm>>
        %dma_start3A_502 = arith.constant 0 : i32
        %dma_start3A_503 = arith.constant 0 : i32
        %dma_start3A_504 = arith.constant 0 : i32
        %dma_start3A_505 = tpu.memref_slice %arg2[%add3A, %dma_start3A_502, %dma_start3A_503, %dma_start3A_504] : memref<8x8x128x128xf32, #tpu.memory_space<hbm>> -> memref<1x7x128x128xf32, #tpu.memory_space<hbm>>
        %dma_start3A_506 = tpu.memref_squeeze %dma_start3A_505 : memref<1x7x128x128xf32, #tpu.memory_space<hbm>> -> memref<7x128x128xf32, #tpu.memory_space<hbm>>
        tpu.enqueue_dma source(%dma_start3A_506 : memref<7x128x128xf32, #tpu.memory_space<hbm>>) target(%arg7 : memref<7x128x128xf32, #tpu.memory_space<vmem>>) target_semaphore(%run_scoped3A : memref<!tpu.dma_semaphore, #tpu.memory_space<semaphore_mem>>)
        %dma_wait3A = arith.constant 0 : i32
        %dma_wait3A_507 = arith.constant 0 : i32
        %dma_wait3A_508 = arith.constant 0 : i32
        %dma_wait3A_509 = tpu.memref_slice %arg2[%add3A, %dma_wait3A, %dma_wait3A_507, %dma_wait3A_508] : memref<8x8x128x128xf32, #tpu.memory_space<hbm>> -> memref<1x7x128x128xf32, #tpu.memory_space<hbm>>
        %dma_wait3A_510 = tpu.memref_squeeze %dma_wait3A_509 : memref<1x7x128x128xf32, #tpu.memory_space<hbm>> -> memref<7x128x128xf32, #tpu.memory_space<hbm>>
        %dma_wait3A_511 = arith.constant 0 : i32
        %dma_wait3A_512 = arith.constant 0 : i32
        %dma_wait3A_513 = arith.constant 0 : i32
        %dma_wait3A_514 = tpu.memref_slice %arg2[%add3A, %dma_wait3A_511, %dma_wait3A_512, %dma_wait3A_513] : memref<8x8x128x128xf32, #tpu.memory_space<hbm>> -> memref<1x7x128x128xf32, #tpu.memory_space<hbm>>
        %dma_wait3A_515 = tpu.memref_squeeze %dma_wait3A_514 : memref<1x7x128x128xf32, #tpu.memory_space<hbm>> -> memref<7x128x128xf32, #tpu.memory_space<hbm>>
        tpu.wait_dma2 semaphore(%run_scoped3A : memref<!tpu.dma_semaphore, #tpu.memory_space<semaphore_mem>>) src(%dma_wait3A_515 : memref<7x128x128xf32, #tpu.memory_space<hbm>>) dst(%arg7 : memref<7x128x128xf32, #tpu.memory_space<vmem>>)
        tpu.yield
      }) : () -> ()
      "tpu.region"() ({
        %run_scoped3A = tpu.sem_alloc : memref<!tpu.dma_semaphore, #tpu.memory_space<semaphore_mem>>
        %dma_start3A = arith.constant 0 : i32
        %dma_start3A_498 = arith.constant 0 : i32
        %dma_start3A_499 = tpu.memref_slice %arg8[%dma_start3A, %dma_start3A_498] : memref<112x8xf32, #tpu.memory_space<vmem>> -> memref<100x8xf32, #tpu.memory_space<vmem>>
        %dma_start3A_500 = arith.constant 0 : i32
        %dma_start3A_501 = arith.constant 0 : i32
        %dma_start3A_502 = tpu.memref_slice %arg3[%add3A, %dma_start3A_500, %dma_start3A_501] : memref<8x100x8xf32, #tpu.memory_space<hbm>> -> memref<1x100x8xf32, #tpu.memory_space<hbm>>
        %dma_start3A_503 = tpu.memref_squeeze %dma_start3A_502 : memref<1x100x8xf32, #tpu.memory_space<hbm>> -> memref<100x8xf32, #tpu.memory_space<hbm>>
        %dma_start3A_504 = arith.constant 0 : i32
        %dma_start3A_505 = arith.constant 0 : i32
        %dma_start3A_506 = tpu.memref_slice %arg8[%dma_start3A_504, %dma_start3A_505] : memref<112x8xf32, #tpu.memory_space<vmem>> -> memref<100x8xf32, #tpu.memory_space<vmem>>
        %dma_start3A_507 = arith.constant 0 : i32
        %dma_start3A_508 = arith.constant 0 : i32
        %dma_start3A_509 = tpu.memref_slice %arg3[%add3A, %dma_start3A_507, %dma_start3A_508] : memref<8x100x8xf32, #tpu.memory_space<hbm>> -> memref<1x100x8xf32, #tpu.memory_space<hbm>>
        %dma_start3A_510 = tpu.memref_squeeze %dma_start3A_509 : memref<1x100x8xf32, #tpu.memory_space<hbm>> -> memref<100x8xf32, #tpu.memory_space<hbm>>
        tpu.enqueue_dma source(%dma_start3A_510 : memref<100x8xf32, #tpu.memory_space<hbm>>) target(%dma_start3A_506 : memref<100x8xf32, #tpu.memory_space<vmem>>) target_semaphore(%run_scoped3A : memref<!tpu.dma_semaphore, #tpu.memory_space<semaphore_mem>>)
        %dma_wait3A = arith.constant 0 : i32
        %dma_wait3A_511 = arith.constant 0 : i32
        %dma_wait3A_512 = tpu.memref_slice %arg8[%dma_wait3A, %dma_wait3A_511] : memref<112x8xf32, #tpu.memory_space<vmem>> -> memref<100x8xf32, #tpu.memory_space<vmem>>
        %dma_wait3A_513 = arith.constant 0 : i32
        %dma_wait3A_514 = arith.constant 0 : i32
        %dma_wait3A_515 = tpu.memref_slice %arg3[%add3A, %dma_wait3A_513, %dma_wait3A_514] : memref<8x100x8xf32, #tpu.memory_space<hbm>> -> memref<1x100x8xf32, #tpu.memory_space<hbm>>
        %dma_wait3A_516 = tpu.memref_squeeze %dma_wait3A_515 : memref<1x100x8xf32, #tpu.memory_space<hbm>> -> memref<100x8xf32, #tpu.memory_space<hbm>>
        %dma_wait3A_517 = arith.constant 0 : i32
        %dma_wait3A_518 = arith.constant 0 : i32
        %dma_wait3A_519 = tpu.memref_slice %arg8[%dma_wait3A_517, %dma_wait3A_518] : memref<112x8xf32, #tpu.memory_space<vmem>> -> memref<100x8xf32, #tpu.memory_space<vmem>>
        %dma_wait3A_520 = arith.constant 0 : i32
        %dma_wait3A_521 = arith.constant 0 : i32
        %dma_wait3A_522 = tpu.memref_slice %arg3[%add3A, %dma_wait3A_520, %dma_wait3A_521] : memref<8x100x8xf32, #tpu.memory_space<hbm>> -> memref<1x100x8xf32, #tpu.memory_space<hbm>>
        %dma_wait3A_523 = tpu.memref_squeeze %dma_wait3A_522 : memref<1x100x8xf32, #tpu.memory_space<hbm>> -> memref<100x8xf32, #tpu.memory_space<hbm>>
        tpu.wait_dma2 semaphore(%run_scoped3A : memref<!tpu.dma_semaphore, #tpu.memory_space<semaphore_mem>>) src(%dma_wait3A_523 : memref<100x8xf32, #tpu.memory_space<hbm>>) dst(%dma_wait3A_519 : memref<100x8xf32, #tpu.memory_space<vmem>>)
        tpu.yield
      }) : () -> ()
      "tpu.region"() ({
        %run_scoped3A = tpu.sem_alloc : memref<!tpu.dma_semaphore, #tpu.memory_space<semaphore_mem>>
        %dma_start3A = arith.constant 0 : i32
        %dma_start3A_498 = tpu.memref_slice %arg4[%add3A, %dma_start3A] : memref<8x112xi32, #tpu.memory_space<hbm>> -> memref<1x112xi32, #tpu.memory_space<hbm>>
        %dma_start3A_499 = tpu.memref_squeeze %dma_start3A_498 : memref<1x112xi32, #tpu.memory_space<hbm>> -> memref<112xi32, #tpu.memory_space<hbm>>
        %dma_start3A_500 = arith.constant 0 : i32
        %dma_start3A_501 = tpu.memref_slice %arg4[%add3A, %dma_start3A_500] : memref<8x112xi32, #tpu.memory_space<hbm>> -> memref<1x112xi32, #tpu.memory_space<hbm>>
        %dma_start3A_502 = tpu.memref_squeeze %dma_start3A_501 : memref<1x112xi32, #tpu.memory_space<hbm>> -> memref<112xi32, #tpu.memory_space<hbm>>
        tpu.enqueue_dma source(%dma_start3A_502 : memref<112xi32, #tpu.memory_space<hbm>>) target(%arg9 : memref<112xi32, #tpu.memory_space<vmem>>) target_semaphore(%run_scoped3A : memref<!tpu.dma_semaphore, #tpu.memory_space<semaphore_mem>>)
        %dma_wait3A = arith.constant 0 : i32
        %dma_wait3A_503 = tpu.memref_slice %arg4[%add3A, %dma_wait3A] : memref<8x112xi32, #tpu.memory_space<hbm>> -> memref<1x112xi32, #tpu.memory_space<hbm>>
        %dma_wait3A_504 = tpu.memref_squeeze %dma_wait3A_503 : memref<1x112xi32, #tpu.memory_space<hbm>> -> memref<112xi32, #tpu.memory_space<hbm>>
        %dma_wait3A_505 = arith.constant 0 : i32
        %dma_wait3A_506 = tpu.memref_slice %arg4[%add3A, %dma_wait3A_505] : memref<8x112xi32, #tpu.memory_space<hbm>> -> memref<1x112xi32, #tpu.memory_space<hbm>>
        %dma_wait3A_507 = tpu.memref_squeeze %dma_wait3A_506 : memref<1x112xi32, #tpu.memory_space<hbm>> -> memref<112xi32, #tpu.memory_space<hbm>>
        tpu.wait_dma2 semaphore(%run_scoped3A : memref<!tpu.dma_semaphore, #tpu.memory_space<semaphore_mem>>) src(%dma_wait3A_507 : memref<112xi32, #tpu.memory_space<hbm>>) dst(%arg9 : memref<112xi32, #tpu.memory_space<vmem>>)
        tpu.yield
      }) : () -> ()
      "tpu.region"() ({
        %run_scoped3A = tpu.sem_alloc : memref<!tpu.dma_semaphore, #tpu.memory_space<semaphore_mem>>
        %dma_start3A = arith.constant 0 : i32
        %dma_start3A_498 = tpu.memref_slice %arg5[%add3A, %dma_start3A] : memref<8x112xf32, #tpu.memory_space<hbm>> -> memref<1x112xf32, #tpu.memory_space<hbm>>
        %dma_start3A_499 = tpu.memref_squeeze %dma_start3A_498 : memref<1x112xf32, #tpu.memory_space<hbm>> -> memref<112xf32, #tpu.memory_space<hbm>>
        %dma_start3A_500 = arith.constant 0 : i32
        %dma_start3A_501 = tpu.memref_slice %arg5[%add3A, %dma_start3A_500] : memref<8x112xf32, #tpu.memory_space<hbm>> -> memref<1x112xf32, #tpu.memory_space<hbm>>
        %dma_start3A_502 = tpu.memref_squeeze %dma_start3A_501 : memref<1x112xf32, #tpu.memory_space<hbm>> -> memref<112xf32, #tpu.memory_space<hbm>>
        tpu.enqueue_dma source(%dma_start3A_502 : memref<112xf32, #tpu.memory_space<hbm>>) target(%arg10 : memref<112xf32, #tpu.memory_space<vmem>>) target_semaphore(%run_scoped3A : memref<!tpu.dma_semaphore, #tpu.memory_space<semaphore_mem>>)
        %dma_wait3A = arith.constant 0 : i32
        %dma_wait3A_503 = tpu.memref_slice %arg5[%add3A, %dma_wait3A] : memref<8x112xf32, #tpu.memory_space<hbm>> -> memref<1x112xf32, #tpu.memory_space<hbm>>
        %dma_wait3A_504 = tpu.memref_squeeze %dma_wait3A_503 : memref<1x112xf32, #tpu.memory_space<hbm>> -> memref<112xf32, #tpu.memory_space<hbm>>
        %dma_wait3A_505 = arith.constant 0 : i32
        %dma_wait3A_506 = tpu.memref_slice %arg5[%add3A, %dma_wait3A_505] : memref<8x112xf32, #tpu.memory_space<hbm>> -> memref<1x112xf32, #tpu.memory_space<hbm>>
        %dma_wait3A_507 = tpu.memref_squeeze %dma_wait3A_506 : memref<1x112xf32, #tpu.memory_space<hbm>> -> memref<112xf32, #tpu.memory_space<hbm>>
        tpu.wait_dma2 semaphore(%run_scoped3A : memref<!tpu.dma_semaphore, #tpu.memory_space<semaphore_mem>>) src(%dma_wait3A_507 : memref<112xf32, #tpu.memory_space<hbm>>) dst(%arg10 : memref<112xf32, #tpu.memory_space<vmem>>)
        tpu.yield
      }) : () -> ()
      %iota3A = tpu.iota {dimensions = array<i32: 0>} : vector<16xi32>
      %broadcast_in_dim3A = arith.constant 0.000000e+00 : f32
      %broadcast_in_dim3A_3 = vector.broadcast %broadcast_in_dim3A : f32 to vector<16xf32>
      %get3A = arith.constant 0 : index
      %get3A_4 = tpu.vector_load %arg9[%get3A] {strides = array<i32>} : memref<112xi32, #tpu.memory_space<vmem>>, vector<16xi32>,
      %get3A_5 = arith.constant 0 : index
      %get3A_6 = tpu.vector_load %arg10[%get3A_5] {strides = array<i32>} : memref<112xf32, #tpu.memory_space<vmem>>, vector<16xf32>,
      %shift_right_logical3A = arith.constant 7 : i32
      %shift_right_logical3A_7 = vector.broadcast %shift_right_logical3A : i32 to vector<16xi32>
      %shift_right_logical3A_8 = arith.shrui %get3A_4, %shift_right_logical3A_7 : vector<16xi32>
      %and3A = arith.constant 127 : i32
      %and3A_9 = vector.broadcast %and3A : i32 to vector<16xi32>
      %and3A_10 = arith.andi %get3A_4, %and3A_9 : vector<16xi32>
      %add3A_11 = arith.constant 0 : i32
      %add3A_12 = vector.broadcast %add3A_11 : i32 to vector<16xi32>
      %add3A_13 = arith.addi %add3A_12, %iota3A : vector<16xi32>
      %broadcast_in_dim3A_14 = arith.constant 0.000000e+00 : f32
      %broadcast_in_dim3A_15 = vector.broadcast %broadcast_in_dim3A_14 : f32 to vector<16xf32>
      %broadcast_in_dim3A_16 = arith.constant 0 : i32
      %broadcast_in_dim3A_17 = vector.broadcast %broadcast_in_dim3A_16 : i32 to vector<16xi32>
      %gather3A = tpu.vector_load_idx %arg7[%broadcast_in_dim3A_17, %shift_right_logical3A_8, %and3A_10] : memref<7x128x128xf32, #tpu.memory_space<vmem>>[vector<16xi32>, vector<16xi32>, vector<16xi32>], vector<16xf32>,
      %gather3A_18 = tpu.vector_load_idx %arg8[%add3A_13, %broadcast_in_dim3A_17] : memref<112x8xf32, #tpu.memory_space<vmem>>[vector<16xi32>, vector<16xi32>], vector<16xf32>,
      %sub3A = arith.subf %gather3A, %gather3A_18 : vector<16xf32>
      %mul3A_19 = arith.mulf %sub3A, %sub3A : vector<16xf32>
      %add3A_20 = arith.addf %broadcast_in_dim3A_15, %mul3A_19 : vector<16xf32>
      %broadcast_in_dim3A_21 = arith.constant 1 : i32
      %broadcast_in_dim3A_22 = vector.broadcast %broadcast_in_dim3A_21 : i32 to vector<16xi32>
      %gather3A_23 = tpu.vector_load_idx %arg7[%broadcast_in_dim3A_22, %shift_right_logical3A_8, %and3A_10] : memref<7x128x128xf32, #tpu.memory_space<vmem>>[vector<16xi32>, vector<16xi32>, vector<16xi32>], vector<16xf32>,
      %gather3A_24 = tpu.vector_load_idx %arg8[%add3A_13, %broadcast_in_dim3A_22] : memref<112x8xf32, #tpu.memory_space<vmem>>[vector<16xi32>, vector<16xi32>], vector<16xf32>,
      %sub3A_25 = arith.subf %gather3A_23, %gather3A_24 : vector<16xf32>
      %mul3A_26 = arith.mulf %sub3A_25, %sub3A_25 : vector<16xf32>
      %add3A_27 = arith.addf %add3A_20, %mul3A_26 : vector<16xf32>
      %broadcast_in_dim3A_28 = arith.constant 2 : i32
      %broadcast_in_dim3A_29 = vector.broadcast %broadcast_in_dim3A_28 : i32 to vector<16xi32>
      %gather3A_30 = tpu.vector_load_idx %arg7[%broadcast_in_dim3A_29, %shift_right_logical3A_8, %and3A_10] : memref<7x128x128xf32, #tpu.memory_space<vmem>>[vector<16xi32>, vector<16xi32>, vector<16xi32>], vector<16xf32>,
      %gather3A_31 = tpu.vector_load_idx %arg8[%add3A_13, %broadcast_in_dim3A_29] : memref<112x8xf32, #tpu.memory_space<vmem>>[vector<16xi32>, vector<16xi32>], vector<16xf32>,
      %sub3A_32 = arith.subf %gather3A_30, %gather3A_31 : vector<16xf32>
      %mul3A_33 = arith.mulf %sub3A_32, %sub3A_32 : vector<16xf32>
      %add3A_34 = arith.addf %add3A_27, %mul3A_33 : vector<16xf32>
      %broadcast_in_dim3A_35 = arith.constant 3 : i32
      %broadcast_in_dim3A_36 = vector.broadcast %broadcast_in_dim3A_35 : i32 to vector<16xi32>
      %gather3A_37 = tpu.vector_load_idx %arg7[%broadcast_in_dim3A_36, %shift_right_logical3A_8, %and3A_10] : memref<7x128x128xf32, #tpu.memory_space<vmem>>[vector<16xi32>, vector<16xi32>, vector<16xi32>], vector<16xf32>,
      %gather3A_38 = tpu.vector_load_idx %arg8[%add3A_13, %broadcast_in_dim3A_36] : memref<112x8xf32, #tpu.memory_space<vmem>>[vector<16xi32>, vector<16xi32>], vector<16xf32>,
      %sub3A_39 = arith.subf %gather3A_37, %gather3A_38 : vector<16xf32>
      %mul3A_40 = arith.mulf %sub3A_39, %sub3A_39 : vector<16xf32>
      %add3A_41 = arith.addf %add3A_34, %mul3A_40 : vector<16xf32>
      %broadcast_in_dim3A_42 = arith.constant 4 : i32
      %broadcast_in_dim3A_43 = vector.broadcast %broadcast_in_dim3A_42 : i32 to vector<16xi32>
      %gather3A_44 = tpu.vector_load_idx %arg7[%broadcast_in_dim3A_43, %shift_right_logical3A_8, %and3A_10] : memref<7x128x128xf32, #tpu.memory_space<vmem>>[vector<16xi32>, vector<16xi32>, vector<16xi32>], vector<16xf32>,
      %gather3A_45 = tpu.vector_load_idx %arg8[%add3A_13, %broadcast_in_dim3A_43] : memref<112x8xf32, #tpu.memory_space<vmem>>[vector<16xi32>, vector<16xi32>], vector<16xf32>,
      %sub3A_46 = arith.subf %gather3A_44, %gather3A_45 : vector<16xf32>
      %mul3A_47 = arith.mulf %sub3A_46, %sub3A_46 : vector<16xf32>
      %add3A_48 = arith.addf %add3A_41, %mul3A_47 : vector<16xf32>
      %broadcast_in_dim3A_49 = arith.constant 5 : i32
      %broadcast_in_dim3A_50 = vector.broadcast %broadcast_in_dim3A_49 : i32 to vector<16xi32>
      %gather3A_51 = tpu.vector_load_idx %arg7[%broadcast_in_dim3A_50, %shift_right_logical3A_8, %and3A_10] : memref<7x128x128xf32, #tpu.memory_space<vmem>>[vector<16xi32>, vector<16xi32>, vector<16xi32>], vector<16xf32>,
      %gather3A_52 = tpu.vector_load_idx %arg8[%add3A_13, %broadcast_in_dim3A_50] : memref<112x8xf32, #tpu.memory_space<vmem>>[vector<16xi32>, vector<16xi32>], vector<16xf32>,
      %sub3A_53 = arith.subf %gather3A_51, %gather3A_52 : vector<16xf32>
      %mul3A_54 = arith.mulf %sub3A_53, %sub3A_53 : vector<16xf32>
      %add3A_55 = arith.addf %add3A_48, %mul3A_54 : vector<16xf32>
      %broadcast_in_dim3A_56 = arith.constant 6 : i32
      %broadcast_in_dim3A_57 = vector.broadcast %broadcast_in_dim3A_56 : i32 to vector<16xi32>
      %gather3A_58 = tpu.vector_load_idx %arg7[%broadcast_in_dim3A_57, %shift_right_logical3A_8, %and3A_10] : memref<7x128x128xf32, #tpu.memory_space<vmem>>[vector<16xi32>, vector<16xi32>, vector<16xi32>], vector<16xf32>,
      %gather3A_59 = tpu.vector_load_idx %arg8[%add3A_13, %broadcast_in_dim3A_57] : memref<112x8xf32, #tpu.memory_space<vmem>>[vector<16xi32>, vector<16xi32>], vector<16xf32>,
      %sub3A_60 = arith.subf %gather3A_58, %gather3A_59 : vector<16xf32>
      %mul3A_61 = arith.mulf %sub3A_60, %sub3A_60 : vector<16xf32>
      %add3A_62 = arith.addf %add3A_55, %mul3A_61 : vector<16xf32>
      %eq3A = arith.constant 1.000000e+00 : f32
      %eq3A_63 = vector.broadcast %eq3A : f32 to vector<16xf32>
      %eq3A_64 = arith.cmpf oeq, %get3A_6, %eq3A_63 : vector<16xf32>
      %jit3A = arith.constant 0.000000e+00 : f32
      %broadcast_in_dim3A_65 = vector.broadcast %jit3A : f32 to vector<16xf32>
      %select_n3A = arith.select %eq3A_64, %add3A_62, %broadcast_in_dim3A_65 : vector<16xi1>, vector<16xf32>
      %add3A_66 = arith.addf %broadcast_in_dim3A_3, %select_n3A : vector<16xf32>
      %get3A_67 = arith.constant 16 : index
      %get3A_68 = tpu.vector_load %arg9[%get3A_67] {strides = array<i32>} : memref<112xi32, #tpu.memory_space<vmem>>, vector<16xi32>,
      %get3A_69 = arith.constant 16 : index
      %get3A_70 = tpu.vector_load %arg10[%get3A_69] {strides = array<i32>} : memref<112xf32, #tpu.memory_space<vmem>>, vector<16xf32>,
      %shift_right_logical3A_71 = arith.constant 7 : i32
      %shift_right_logical3A_72 = vector.broadcast %shift_right_logical3A_71 : i32 to vector<16xi32>
      %shift_right_logical3A_73 = arith.shrui %get3A_68, %shift_right_logical3A_72 : vector<16xi32>
      %and3A_74 = arith.constant 127 : i32
      %and3A_75 = vector.broadcast %and3A_74 : i32 to vector<16xi32>
      %and3A_76 = arith.andi %get3A_68, %and3A_75 : vector<16xi32>
      %add3A_77 = arith.constant 16 : i32
      %add3A_78 = vector.broadcast %add3A_77 : i32 to vector<16xi32>
      %add3A_79 = arith.addi %add3A_78, %iota3A : vector<16xi32>
      %broadcast_in_dim3A_80 = arith.constant 0.000000e+00 : f32
      %broadcast_in_dim3A_81 = vector.broadcast %broadcast_in_dim3A_80 : f32 to vector<16xf32>
      %broadcast_in_dim3A_82 = arith.constant 0 : i32
      %broadcast_in_dim3A_83 = vector.broadcast %broadcast_in_dim3A_82 : i32 to vector<16xi32>
      %gather3A_84 = tpu.vector_load_idx %arg7[%broadcast_in_dim3A_83, %shift_right_logical3A_73, %and3A_76] : memref<7x128x128xf32, #tpu.memory_space<vmem>>[vector<16xi32>, vector<16xi32>, vector<16xi32>], vector<16xf32>,
      %gather3A_85 = tpu.vector_load_idx %arg8[%add3A_79, %broadcast_in_dim3A_83] : memref<112x8xf32, #tpu.memory_space<vmem>>[vector<16xi32>, vector<16xi32>], vector<16xf32>,
      %sub3A_86 = arith.subf %gather3A_84, %gather3A_85 : vector<16xf32>
      %mul3A_87 = arith.mulf %sub3A_86, %sub3A_86 : vector<16xf32>
      %add3A_88 = arith.addf %broadcast_in_dim3A_81, %mul3A_87 : vector<16xf32>
      %broadcast_in_dim3A_89 = arith.constant 1 : i32
      %broadcast_in_dim3A_90 = vector.broadcast %broadcast_in_dim3A_89 : i32 to vector<16xi32>
      %gather3A_91 = tpu.vector_load_idx %arg7[%broadcast_in_dim3A_90, %shift_right_logical3A_73, %and3A_76] : memref<7x128x128xf32, #tpu.memory_space<vmem>>[vector<16xi32>, vector<16xi32>, vector<16xi32>], vector<16xf32>,
      %gather3A_92 = tpu.vector_load_idx %arg8[%add3A_79, %broadcast_in_dim3A_90] : memref<112x8xf32, #tpu.memory_space<vmem>>[vector<16xi32>, vector<16xi32>], vector<16xf32>,
      %sub3A_93 = arith.subf %gather3A_91, %gather3A_92 : vector<16xf32>
      %mul3A_94 = arith.mulf %sub3A_93, %sub3A_93 : vector<16xf32>
      %add3A_95 = arith.addf %add3A_88, %mul3A_94 : vector<16xf32>
      %broadcast_in_dim3A_96 = arith.constant 2 : i32
      %broadcast_in_dim3A_97 = vector.broadcast %broadcast_in_dim3A_96 : i32 to vector<16xi32>
      %gather3A_98 = tpu.vector_load_idx %arg7[%broadcast_in_dim3A_97, %shift_right_logical3A_73, %and3A_76] : memref<7x128x128xf32, #tpu.memory_space<vmem>>[vector<16xi32>, vector<16xi32>, vector<16xi32>], vector<16xf32>,
      %gather3A_99 = tpu.vector_load_idx %arg8[%add3A_79, %broadcast_in_dim3A_97] : memref<112x8xf32, #tpu.memory_space<vmem>>[vector<16xi32>, vector<16xi32>], vector<16xf32>,
      %sub3A_100 = arith.subf %gather3A_98, %gather3A_99 : vector<16xf32>
      %mul3A_101 = arith.mulf %sub3A_100, %sub3A_100 : vector<16xf32>
      %add3A_102 = arith.addf %add3A_95, %mul3A_101 : vector<16xf32>
      %broadcast_in_dim3A_103 = arith.constant 3 : i32
      %broadcast_in_dim3A_104 = vector.broadcast %broadcast_in_dim3A_103 : i32 to vector<16xi32>
      %gather3A_105 = tpu.vector_load_idx %arg7[%broadcast_in_dim3A_104, %shift_right_logical3A_73, %and3A_76] : memref<7x128x128xf32, #tpu.memory_space<vmem>>[vector<16xi32>, vector<16xi32>, vector<16xi32>], vector<16xf32>,
      %gather3A_106 = tpu.vector_load_idx %arg8[%add3A_79, %broadcast_in_dim3A_104] : memref<112x8xf32, #tpu.memory_space<vmem>>[vector<16xi32>, vector<16xi32>], vector<16xf32>,
      %sub3A_107 = arith.subf %gather3A_105, %gather3A_106 : vector<16xf32>
      %mul3A_108 = arith.mulf %sub3A_107, %sub3A_107 : vector<16xf32>
      %add3A_109 = arith.addf %add3A_102, %mul3A_108 : vector<16xf32>
      %broadcast_in_dim3A_110 = arith.constant 4 : i32
      %broadcast_in_dim3A_111 = vector.broadcast %broadcast_in_dim3A_110 : i32 to vector<16xi32>
      %gather3A_112 = tpu.vector_load_idx %arg7[%broadcast_in_dim3A_111, %shift_right_logical3A_73, %and3A_76] : memref<7x128x128xf32, #tpu.memory_space<vmem>>[vector<16xi32>, vector<16xi32>, vector<16xi32>], vector<16xf32>,
      %gather3A_113 = tpu.vector_load_idx %arg8[%add3A_79, %broadcast_in_dim3A_111] : memref<112x8xf32, #tpu.memory_space<vmem>>[vector<16xi32>, vector<16xi32>], vector<16xf32>,
      %sub3A_114 = arith.subf %gather3A_112, %gather3A_113 : vector<16xf32>
      %mul3A_115 = arith.mulf %sub3A_114, %sub3A_114 : vector<16xf32>
      %add3A_116 = arith.addf %add3A_109, %mul3A_115 : vector<16xf32>
      %broadcast_in_dim3A_117 = arith.constant 5 : i32
      %broadcast_in_dim3A_118 = vector.broadcast %broadcast_in_dim3A_117 : i32 to vector<16xi32>
      %gather3A_119 = tpu.vector_load_idx %arg7[%broadcast_in_dim3A_118, %shift_right_logical3A_73, %and3A_76] : memref<7x128x128xf32, #tpu.memory_space<vmem>>[vector<16xi32>, vector<16xi32>, vector<16xi32>], vector<16xf32>,
      %gather3A_120 = tpu.vector_load_idx %arg8[%add3A_79, %broadcast_in_dim3A_118] : memref<112x8xf32, #tpu.memory_space<vmem>>[vector<16xi32>, vector<16xi32>], vector<16xf32>,
      %sub3A_121 = arith.subf %gather3A_119, %gather3A_120 : vector<16xf32>
      %mul3A_122 = arith.mulf %sub3A_121, %sub3A_121 : vector<16xf32>
      %add3A_123 = arith.addf %add3A_116, %mul3A_122 : vector<16xf32>
      %broadcast_in_dim3A_124 = arith.constant 6 : i32
      %broadcast_in_dim3A_125 = vector.broadcast %broadcast_in_dim3A_124 : i32 to vector<16xi32>
      %gather3A_126 = tpu.vector_load_idx %arg7[%broadcast_in_dim3A_125, %shift_right_logical3A_73, %and3A_76] : memref<7x128x128xf32, #tpu.memory_space<vmem>>[vector<16xi32>, vector<16xi32>, vector<16xi32>], vector<16xf32>,
      %gather3A_127 = tpu.vector_load_idx %arg8[%add3A_79, %broadcast_in_dim3A_125] : memref<112x8xf32, #tpu.memory_space<vmem>>[vector<16xi32>, vector<16xi32>], vector<16xf32>,
      %sub3A_128 = arith.subf %gather3A_126, %gather3A_127 : vector<16xf32>
      %mul3A_129 = arith.mulf %sub3A_128, %sub3A_128 : vector<16xf32>
      %add3A_130 = arith.addf %add3A_123, %mul3A_129 : vector<16xf32>
      %eq3A_131 = arith.constant 1.000000e+00 : f32
      %eq3A_132 = vector.broadcast %eq3A_131 : f32 to vector<16xf32>
      %eq3A_133 = arith.cmpf oeq, %get3A_70, %eq3A_132 : vector<16xf32>
      %jit3A_134 = arith.constant 0.000000e+00 : f32
      %broadcast_in_dim3A_135 = vector.broadcast %jit3A_134 : f32 to vector<16xf32>
      %select_n3A_136 = arith.select %eq3A_133, %add3A_130, %broadcast_in_dim3A_135 : vector<16xi1>, vector<16xf32>
      %add3A_137 = arith.addf %add3A_66, %select_n3A_136 : vector<16xf32>
      %get3A_138 = arith.constant 32 : index
      %get3A_139 = tpu.vector_load %arg9[%get3A_138] {strides = array<i32>} : memref<112xi32, #tpu.memory_space<vmem>>, vector<16xi32>,
      %get3A_140 = arith.constant 32 : index
      %get3A_141 = tpu.vector_load %arg10[%get3A_140] {strides = array<i32>} : memref<112xf32, #tpu.memory_space<vmem>>, vector<16xf32>,
      %shift_right_logical3A_142 = arith.constant 7 : i32
      %shift_right_logical3A_143 = vector.broadcast %shift_right_logical3A_142 : i32 to vector<16xi32>
      %shift_right_logical3A_144 = arith.shrui %get3A_139, %shift_right_logical3A_143 : vector<16xi32>
      %and3A_145 = arith.constant 127 : i32
      %and3A_146 = vector.broadcast %and3A_145 : i32 to vector<16xi32>
      %and3A_147 = arith.andi %get3A_139, %and3A_146 : vector<16xi32>
      %add3A_148 = arith.constant 32 : i32
      %add3A_149 = vector.broadcast %add3A_148 : i32 to vector<16xi32>
      %add3A_150 = arith.addi %add3A_149, %iota3A : vector<16xi32>
      %broadcast_in_dim3A_151 = arith.constant 0.000000e+00 : f32
      %broadcast_in_dim3A_152 = vector.broadcast %broadcast_in_dim3A_151 : f32 to vector<16xf32>
      %broadcast_in_dim3A_153 = arith.constant 0 : i32
      %broadcast_in_dim3A_154 = vector.broadcast %broadcast_in_dim3A_153 : i32 to vector<16xi32>
      %gather3A_155 = tpu.vector_load_idx %arg7[%broadcast_in_dim3A_154, %shift_right_logical3A_144, %and3A_147] : memref<7x128x128xf32, #tpu.memory_space<vmem>>[vector<16xi32>, vector<16xi32>, vector<16xi32>], vector<16xf32>,
      %gather3A_156 = tpu.vector_load_idx %arg8[%add3A_150, %broadcast_in_dim3A_154] : memref<112x8xf32, #tpu.memory_space<vmem>>[vector<16xi32>, vector<16xi32>], vector<16xf32>,
      %sub3A_157 = arith.subf %gather3A_155, %gather3A_156 : vector<16xf32>
      %mul3A_158 = arith.mulf %sub3A_157, %sub3A_157 : vector<16xf32>
      %add3A_159 = arith.addf %broadcast_in_dim3A_152, %mul3A_158 : vector<16xf32>
      %broadcast_in_dim3A_160 = arith.constant 1 : i32
      %broadcast_in_dim3A_161 = vector.broadcast %broadcast_in_dim3A_160 : i32 to vector<16xi32>
      %gather3A_162 = tpu.vector_load_idx %arg7[%broadcast_in_dim3A_161, %shift_right_logical3A_144, %and3A_147] : memref<7x128x128xf32, #tpu.memory_space<vmem>>[vector<16xi32>, vector<16xi32>, vector<16xi32>], vector<16xf32>,
      %gather3A_163 = tpu.vector_load_idx %arg8[%add3A_150, %broadcast_in_dim3A_161] : memref<112x8xf32, #tpu.memory_space<vmem>>[vector<16xi32>, vector<16xi32>], vector<16xf32>,
      %sub3A_164 = arith.subf %gather3A_162, %gather3A_163 : vector<16xf32>
      %mul3A_165 = arith.mulf %sub3A_164, %sub3A_164 : vector<16xf32>
      %add3A_166 = arith.addf %add3A_159, %mul3A_165 : vector<16xf32>
      %broadcast_in_dim3A_167 = arith.constant 2 : i32
      %broadcast_in_dim3A_168 = vector.broadcast %broadcast_in_dim3A_167 : i32 to vector<16xi32>
      %gather3A_169 = tpu.vector_load_idx %arg7[%broadcast_in_dim3A_168, %shift_right_logical3A_144, %and3A_147] : memref<7x128x128xf32, #tpu.memory_space<vmem>>[vector<16xi32>, vector<16xi32>, vector<16xi32>], vector<16xf32>,
      %gather3A_170 = tpu.vector_load_idx %arg8[%add3A_150, %broadcast_in_dim3A_168] : memref<112x8xf32, #tpu.memory_space<vmem>>[vector<16xi32>, vector<16xi32>], vector<16xf32>,
      %sub3A_171 = arith.subf %gather3A_169, %gather3A_170 : vector<16xf32>
      %mul3A_172 = arith.mulf %sub3A_171, %sub3A_171 : vector<16xf32>
      %add3A_173 = arith.addf %add3A_166, %mul3A_172 : vector<16xf32>
      %broadcast_in_dim3A_174 = arith.constant 3 : i32
      %broadcast_in_dim3A_175 = vector.broadcast %broadcast_in_dim3A_174 : i32 to vector<16xi32>
      %gather3A_176 = tpu.vector_load_idx %arg7[%broadcast_in_dim3A_175, %shift_right_logical3A_144, %and3A_147] : memref<7x128x128xf32, #tpu.memory_space<vmem>>[vector<16xi32>, vector<16xi32>, vector<16xi32>], vector<16xf32>,
      %gather3A_177 = tpu.vector_load_idx %arg8[%add3A_150, %broadcast_in_dim3A_175] : memref<112x8xf32, #tpu.memory_space<vmem>>[vector<16xi32>, vector<16xi32>], vector<16xf32>,
      %sub3A_178 = arith.subf %gather3A_176, %gather3A_177 : vector<16xf32>
      %mul3A_179 = arith.mulf %sub3A_178, %sub3A_178 : vector<16xf32>
      %add3A_180 = arith.addf %add3A_173, %mul3A_179 : vector<16xf32>
      %broadcast_in_dim3A_181 = arith.constant 4 : i32
      %broadcast_in_dim3A_182 = vector.broadcast %broadcast_in_dim3A_181 : i32 to vector<16xi32>
      %gather3A_183 = tpu.vector_load_idx %arg7[%broadcast_in_dim3A_182, %shift_right_logical3A_144, %and3A_147] : memref<7x128x128xf32, #tpu.memory_space<vmem>>[vector<16xi32>, vector<16xi32>, vector<16xi32>], vector<16xf32>,
      %gather3A_184 = tpu.vector_load_idx %arg8[%add3A_150, %broadcast_in_dim3A_182] : memref<112x8xf32, #tpu.memory_space<vmem>>[vector<16xi32>, vector<16xi32>], vector<16xf32>,
      %sub3A_185 = arith.subf %gather3A_183, %gather3A_184 : vector<16xf32>
      %mul3A_186 = arith.mulf %sub3A_185, %sub3A_185 : vector<16xf32>
      %add3A_187 = arith.addf %add3A_180, %mul3A_186 : vector<16xf32>
      %broadcast_in_dim3A_188 = arith.constant 5 : i32
      %broadcast_in_dim3A_189 = vector.broadcast %broadcast_in_dim3A_188 : i32 to vector<16xi32>
      %gather3A_190 = tpu.vector_load_idx %arg7[%broadcast_in_dim3A_189, %shift_right_logical3A_144, %and3A_147] : memref<7x128x128xf32, #tpu.memory_space<vmem>>[vector<16xi32>, vector<16xi32>, vector<16xi32>], vector<16xf32>,
      %gather3A_191 = tpu.vector_load_idx %arg8[%add3A_150, %broadcast_in_dim3A_189] : memref<112x8xf32, #tpu.memory_space<vmem>>[vector<16xi32>, vector<16xi32>], vector<16xf32>,
      %sub3A_192 = arith.subf %gather3A_190, %gather3A_191 : vector<16xf32>
      %mul3A_193 = arith.mulf %sub3A_192, %sub3A_192 : vector<16xf32>
      %add3A_194 = arith.addf %add3A_187, %mul3A_193 : vector<16xf32>
      %broadcast_in_dim3A_195 = arith.constant 6 : i32
      %broadcast_in_dim3A_196 = vector.broadcast %broadcast_in_dim3A_195 : i32 to vector<16xi32>
      %gather3A_197 = tpu.vector_load_idx %arg7[%broadcast_in_dim3A_196, %shift_right_logical3A_144, %and3A_147] : memref<7x128x128xf32, #tpu.memory_space<vmem>>[vector<16xi32>, vector<16xi32>, vector<16xi32>], vector<16xf32>,
      %gather3A_198 = tpu.vector_load_idx %arg8[%add3A_150, %broadcast_in_dim3A_196] : memref<112x8xf32, #tpu.memory_space<vmem>>[vector<16xi32>, vector<16xi32>], vector<16xf32>,
      %sub3A_199 = arith.subf %gather3A_197, %gather3A_198 : vector<16xf32>
      %mul3A_200 = arith.mulf %sub3A_199, %sub3A_199 : vector<16xf32>
      %add3A_201 = arith.addf %add3A_194, %mul3A_200 : vector<16xf32>
      %eq3A_202 = arith.constant 1.000000e+00 : f32
      %eq3A_203 = vector.broadcast %eq3A_202 : f32 to vector<16xf32>
      %eq3A_204 = arith.cmpf oeq, %get3A_141, %eq3A_203 : vector<16xf32>
      %jit3A_205 = arith.constant 0.000000e+00 : f32
      %broadcast_in_dim3A_206 = vector.broadcast %jit3A_205 : f32 to vector<16xf32>
      %select_n3A_207 = arith.select %eq3A_204, %add3A_201, %broadcast_in_dim3A_206 : vector<16xi1>, vector<16xf32>
      %add3A_208 = arith.addf %add3A_137, %select_n3A_207 : vector<16xf32>
      %get3A_209 = arith.constant 48 : index
      %get3A_210 = tpu.vector_load %arg9[%get3A_209] {strides = array<i32>} : memref<112xi32, #tpu.memory_space<vmem>>, vector<16xi32>,
      %get3A_211 = arith.constant 48 : index
      %get3A_212 = tpu.vector_load %arg10[%get3A_211] {strides = array<i32>} : memref<112xf32, #tpu.memory_space<vmem>>, vector<16xf32>,
      %shift_right_logical3A_213 = arith.constant 7 : i32
      %shift_right_logical3A_214 = vector.broadcast %shift_right_logical3A_213 : i32 to vector<16xi32>
      %shift_right_logical3A_215 = arith.shrui %get3A_210, %shift_right_logical3A_214 : vector<16xi32>
      %and3A_216 = arith.constant 127 : i32
      %and3A_217 = vector.broadcast %and3A_216 : i32 to vector<16xi32>
      %and3A_218 = arith.andi %get3A_210, %and3A_217 : vector<16xi32>
      %add3A_219 = arith.constant 48 : i32
      %add3A_220 = vector.broadcast %add3A_219 : i32 to vector<16xi32>
      %add3A_221 = arith.addi %add3A_220, %iota3A : vector<16xi32>
      %broadcast_in_dim3A_222 = arith.constant 0.000000e+00 : f32
      %broadcast_in_dim3A_223 = vector.broadcast %broadcast_in_dim3A_222 : f32 to vector<16xf32>
      %broadcast_in_dim3A_224 = arith.constant 0 : i32
      %broadcast_in_dim3A_225 = vector.broadcast %broadcast_in_dim3A_224 : i32 to vector<16xi32>
      %gather3A_226 = tpu.vector_load_idx %arg7[%broadcast_in_dim3A_225, %shift_right_logical3A_215, %and3A_218] : memref<7x128x128xf32, #tpu.memory_space<vmem>>[vector<16xi32>, vector<16xi32>, vector<16xi32>], vector<16xf32>,
      %gather3A_227 = tpu.vector_load_idx %arg8[%add3A_221, %broadcast_in_dim3A_225] : memref<112x8xf32, #tpu.memory_space<vmem>>[vector<16xi32>, vector<16xi32>], vector<16xf32>,
      %sub3A_228 = arith.subf %gather3A_226, %gather3A_227 : vector<16xf32>
      %mul3A_229 = arith.mulf %sub3A_228, %sub3A_228 : vector<16xf32>
      %add3A_230 = arith.addf %broadcast_in_dim3A_223, %mul3A_229 : vector<16xf32>
      %broadcast_in_dim3A_231 = arith.constant 1 : i32
      %broadcast_in_dim3A_232 = vector.broadcast %broadcast_in_dim3A_231 : i32 to vector<16xi32>
      %gather3A_233 = tpu.vector_load_idx %arg7[%broadcast_in_dim3A_232, %shift_right_logical3A_215, %and3A_218] : memref<7x128x128xf32, #tpu.memory_space<vmem>>[vector<16xi32>, vector<16xi32>, vector<16xi32>], vector<16xf32>,
      %gather3A_234 = tpu.vector_load_idx %arg8[%add3A_221, %broadcast_in_dim3A_232] : memref<112x8xf32, #tpu.memory_space<vmem>>[vector<16xi32>, vector<16xi32>], vector<16xf32>,
      %sub3A_235 = arith.subf %gather3A_233, %gather3A_234 : vector<16xf32>
      %mul3A_236 = arith.mulf %sub3A_235, %sub3A_235 : vector<16xf32>
      %add3A_237 = arith.addf %add3A_230, %mul3A_236 : vector<16xf32>
      %broadcast_in_dim3A_238 = arith.constant 2 : i32
      %broadcast_in_dim3A_239 = vector.broadcast %broadcast_in_dim3A_238 : i32 to vector<16xi32>
      %gather3A_240 = tpu.vector_load_idx %arg7[%broadcast_in_dim3A_239, %shift_right_logical3A_215, %and3A_218] : memref<7x128x128xf32, #tpu.memory_space<vmem>>[vector<16xi32>, vector<16xi32>, vector<16xi32>], vector<16xf32>,
      %gather3A_241 = tpu.vector_load_idx %arg8[%add3A_221, %broadcast_in_dim3A_239] : memref<112x8xf32, #tpu.memory_space<vmem>>[vector<16xi32>, vector<16xi32>], vector<16xf32>,
      %sub3A_242 = arith.subf %gather3A_240, %gather3A_241 : vector<16xf32>
      %mul3A_243 = arith.mulf %sub3A_242, %sub3A_242 : vector<16xf32>
      %add3A_244 = arith.addf %add3A_237, %mul3A_243 : vector<16xf32>
      %broadcast_in_dim3A_245 = arith.constant 3 : i32
      %broadcast_in_dim3A_246 = vector.broadcast %broadcast_in_dim3A_245 : i32 to vector<16xi32>
      %gather3A_247 = tpu.vector_load_idx %arg7[%broadcast_in_dim3A_246, %shift_right_logical3A_215, %and3A_218] : memref<7x128x128xf32, #tpu.memory_space<vmem>>[vector<16xi32>, vector<16xi32>, vector<16xi32>], vector<16xf32>,
      %gather3A_248 = tpu.vector_load_idx %arg8[%add3A_221, %broadcast_in_dim3A_246] : memref<112x8xf32, #tpu.memory_space<vmem>>[vector<16xi32>, vector<16xi32>], vector<16xf32>,
      %sub3A_249 = arith.subf %gather3A_247, %gather3A_248 : vector<16xf32>
      %mul3A_250 = arith.mulf %sub3A_249, %sub3A_249 : vector<16xf32>
      %add3A_251 = arith.addf %add3A_244, %mul3A_250 : vector<16xf32>
      %broadcast_in_dim3A_252 = arith.constant 4 : i32
      %broadcast_in_dim3A_253 = vector.broadcast %broadcast_in_dim3A_252 : i32 to vector<16xi32>
      %gather3A_254 = tpu.vector_load_idx %arg7[%broadcast_in_dim3A_253, %shift_right_logical3A_215, %and3A_218] : memref<7x128x128xf32, #tpu.memory_space<vmem>>[vector<16xi32>, vector<16xi32>, vector<16xi32>], vector<16xf32>,
      %gather3A_255 = tpu.vector_load_idx %arg8[%add3A_221, %broadcast_in_dim3A_253] : memref<112x8xf32, #tpu.memory_space<vmem>>[vector<16xi32>, vector<16xi32>], vector<16xf32>,
      %sub3A_256 = arith.subf %gather3A_254, %gather3A_255 : vector<16xf32>
      %mul3A_257 = arith.mulf %sub3A_256, %sub3A_256 : vector<16xf32>
      %add3A_258 = arith.addf %add3A_251, %mul3A_257 : vector<16xf32>
      %broadcast_in_dim3A_259 = arith.constant 5 : i32
      %broadcast_in_dim3A_260 = vector.broadcast %broadcast_in_dim3A_259 : i32 to vector<16xi32>
      %gather3A_261 = tpu.vector_load_idx %arg7[%broadcast_in_dim3A_260, %shift_right_logical3A_215, %and3A_218] : memref<7x128x128xf32, #tpu.memory_space<vmem>>[vector<16xi32>, vector<16xi32>, vector<16xi32>], vector<16xf32>,
      %gather3A_262 = tpu.vector_load_idx %arg8[%add3A_221, %broadcast_in_dim3A_260] : memref<112x8xf32, #tpu.memory_space<vmem>>[vector<16xi32>, vector<16xi32>], vector<16xf32>,
      %sub3A_263 = arith.subf %gather3A_261, %gather3A_262 : vector<16xf32>
      %mul3A_264 = arith.mulf %sub3A_263, %sub3A_263 : vector<16xf32>
      %add3A_265 = arith.addf %add3A_258, %mul3A_264 : vector<16xf32>
      %broadcast_in_dim3A_266 = arith.constant 6 : i32
      %broadcast_in_dim3A_267 = vector.broadcast %broadcast_in_dim3A_266 : i32 to vector<16xi32>
      %gather3A_268 = tpu.vector_load_idx %arg7[%broadcast_in_dim3A_267, %shift_right_logical3A_215, %and3A_218] : memref<7x128x128xf32, #tpu.memory_space<vmem>>[vector<16xi32>, vector<16xi32>, vector<16xi32>], vector<16xf32>,
      %gather3A_269 = tpu.vector_load_idx %arg8[%add3A_221, %broadcast_in_dim3A_267] : memref<112x8xf32, #tpu.memory_space<vmem>>[vector<16xi32>, vector<16xi32>], vector<16xf32>,
      %sub3A_270 = arith.subf %gather3A_268, %gather3A_269 : vector<16xf32>
      %mul3A_271 = arith.mulf %sub3A_270, %sub3A_270 : vector<16xf32>
      %add3A_272 = arith.addf %add3A_265, %mul3A_271 : vector<16xf32>
      %eq3A_273 = arith.constant 1.000000e+00 : f32
      %eq3A_274 = vector.broadcast %eq3A_273 : f32 to vector<16xf32>
      %eq3A_275 = arith.cmpf oeq, %get3A_212, %eq3A_274 : vector<16xf32>
      %jit3A_276 = arith.constant 0.000000e+00 : f32
      %broadcast_in_dim3A_277 = vector.broadcast %jit3A_276 : f32 to vector<16xf32>
      %select_n3A_278 = arith.select %eq3A_275, %add3A_272, %broadcast_in_dim3A_277 : vector<16xi1>, vector<16xf32>
      %add3A_279 = arith.addf %add3A_208, %select_n3A_278 : vector<16xf32>
      %get3A_280 = arith.constant 64 : index
      %get3A_281 = tpu.vector_load %arg9[%get3A_280] {strides = array<i32>} : memref<112xi32, #tpu.memory_space<vmem>>, vector<16xi32>,
      %get3A_282 = arith.constant 64 : index
      %get3A_283 = tpu.vector_load %arg10[%get3A_282] {strides = array<i32>} : memref<112xf32, #tpu.memory_space<vmem>>, vector<16xf32>,
      %shift_right_logical3A_284 = arith.constant 7 : i32
      %shift_right_logical3A_285 = vector.broadcast %shift_right_logical3A_284 : i32 to vector<16xi32>
      %shift_right_logical3A_286 = arith.shrui %get3A_281, %shift_right_logical3A_285 : vector<16xi32>
      %and3A_287 = arith.constant 127 : i32
      %and3A_288 = vector.broadcast %and3A_287 : i32 to vector<16xi32>
      %and3A_289 = arith.andi %get3A_281, %and3A_288 : vector<16xi32>
      %add3A_290 = arith.constant 64 : i32
      %add3A_291 = vector.broadcast %add3A_290 : i32 to vector<16xi32>
      %add3A_292 = arith.addi %add3A_291, %iota3A : vector<16xi32>
      %broadcast_in_dim3A_293 = arith.constant 0.000000e+00 : f32
      %broadcast_in_dim3A_294 = vector.broadcast %broadcast_in_dim3A_293 : f32 to vector<16xf32>
      %broadcast_in_dim3A_295 = arith.constant 0 : i32
      %broadcast_in_dim3A_296 = vector.broadcast %broadcast_in_dim3A_295 : i32 to vector<16xi32>
      %gather3A_297 = tpu.vector_load_idx %arg7[%broadcast_in_dim3A_296, %shift_right_logical3A_286, %and3A_289] : memref<7x128x128xf32, #tpu.memory_space<vmem>>[vector<16xi32>, vector<16xi32>, vector<16xi32>], vector<16xf32>,
      %gather3A_298 = tpu.vector_load_idx %arg8[%add3A_292, %broadcast_in_dim3A_296] : memref<112x8xf32, #tpu.memory_space<vmem>>[vector<16xi32>, vector<16xi32>], vector<16xf32>,
      %sub3A_299 = arith.subf %gather3A_297, %gather3A_298 : vector<16xf32>
      %mul3A_300 = arith.mulf %sub3A_299, %sub3A_299 : vector<16xf32>
      %add3A_301 = arith.addf %broadcast_in_dim3A_294, %mul3A_300 : vector<16xf32>
      %broadcast_in_dim3A_302 = arith.constant 1 : i32
      %broadcast_in_dim3A_303 = vector.broadcast %broadcast_in_dim3A_302 : i32 to vector<16xi32>
      %gather3A_304 = tpu.vector_load_idx %arg7[%broadcast_in_dim3A_303, %shift_right_logical3A_286, %and3A_289] : memref<7x128x128xf32, #tpu.memory_space<vmem>>[vector<16xi32>, vector<16xi32>, vector<16xi32>], vector<16xf32>,
      %gather3A_305 = tpu.vector_load_idx %arg8[%add3A_292, %broadcast_in_dim3A_303] : memref<112x8xf32, #tpu.memory_space<vmem>>[vector<16xi32>, vector<16xi32>], vector<16xf32>,
      %sub3A_306 = arith.subf %gather3A_304, %gather3A_305 : vector<16xf32>
      %mul3A_307 = arith.mulf %sub3A_306, %sub3A_306 : vector<16xf32>
      %add3A_308 = arith.addf %add3A_301, %mul3A_307 : vector<16xf32>
      %broadcast_in_dim3A_309 = arith.constant 2 : i32
      %broadcast_in_dim3A_310 = vector.broadcast %broadcast_in_dim3A_309 : i32 to vector<16xi32>
      %gather3A_311 = tpu.vector_load_idx %arg7[%broadcast_in_dim3A_310, %shift_right_logical3A_286, %and3A_289] : memref<7x128x128xf32, #tpu.memory_space<vmem>>[vector<16xi32>, vector<16xi32>, vector<16xi32>], vector<16xf32>,
      %gather3A_312 = tpu.vector_load_idx %arg8[%add3A_292, %broadcast_in_dim3A_310] : memref<112x8xf32, #tpu.memory_space<vmem>>[vector<16xi32>, vector<16xi32>], vector<16xf32>,
      %sub3A_313 = arith.subf %gather3A_311, %gather3A_312 : vector<16xf32>
      %mul3A_314 = arith.mulf %sub3A_313, %sub3A_313 : vector<16xf32>
      %add3A_315 = arith.addf %add3A_308, %mul3A_314 : vector<16xf32>
      %broadcast_in_dim3A_316 = arith.constant 3 : i32
      %broadcast_in_dim3A_317 = vector.broadcast %broadcast_in_dim3A_316 : i32 to vector<16xi32>
      %gather3A_318 = tpu.vector_load_idx %arg7[%broadcast_in_dim3A_317, %shift_right_logical3A_286, %and3A_289] : memref<7x128x128xf32, #tpu.memory_space<vmem>>[vector<16xi32>, vector<16xi32>, vector<16xi32>], vector<16xf32>,
      %gather3A_319 = tpu.vector_load_idx %arg8[%add3A_292, %broadcast_in_dim3A_317] : memref<112x8xf32, #tpu.memory_space<vmem>>[vector<16xi32>, vector<16xi32>], vector<16xf32>,
      %sub3A_320 = arith.subf %gather3A_318, %gather3A_319 : vector<16xf32>
      %mul3A_321 = arith.mulf %sub3A_320, %sub3A_320 : vector<16xf32>
      %add3A_322 = arith.addf %add3A_315, %mul3A_321 : vector<16xf32>
      %broadcast_in_dim3A_323 = arith.constant 4 : i32
      %broadcast_in_dim3A_324 = vector.broadcast %broadcast_in_dim3A_323 : i32 to vector<16xi32>
      %gather3A_325 = tpu.vector_load_idx %arg7[%broadcast_in_dim3A_324, %shift_right_logical3A_286, %and3A_289] : memref<7x128x128xf32, #tpu.memory_space<vmem>>[vector<16xi32>, vector<16xi32>, vector<16xi32>], vector<16xf32>,
      %gather3A_326 = tpu.vector_load_idx %arg8[%add3A_292, %broadcast_in_dim3A_324] : memref<112x8xf32, #tpu.memory_space<vmem>>[vector<16xi32>, vector<16xi32>], vector<16xf32>,
      %sub3A_327 = arith.subf %gather3A_325, %gather3A_326 : vector<16xf32>
      %mul3A_328 = arith.mulf %sub3A_327, %sub3A_327 : vector<16xf32>
      %add3A_329 = arith.addf %add3A_322, %mul3A_328 : vector<16xf32>
      %broadcast_in_dim3A_330 = arith.constant 5 : i32
      %broadcast_in_dim3A_331 = vector.broadcast %broadcast_in_dim3A_330 : i32 to vector<16xi32>
      %gather3A_332 = tpu.vector_load_idx %arg7[%broadcast_in_dim3A_331, %shift_right_logical3A_286, %and3A_289] : memref<7x128x128xf32, #tpu.memory_space<vmem>>[vector<16xi32>, vector<16xi32>, vector<16xi32>], vector<16xf32>,
      %gather3A_333 = tpu.vector_load_idx %arg8[%add3A_292, %broadcast_in_dim3A_331] : memref<112x8xf32, #tpu.memory_space<vmem>>[vector<16xi32>, vector<16xi32>], vector<16xf32>,
      %sub3A_334 = arith.subf %gather3A_332, %gather3A_333 : vector<16xf32>
      %mul3A_335 = arith.mulf %sub3A_334, %sub3A_334 : vector<16xf32>
      %add3A_336 = arith.addf %add3A_329, %mul3A_335 : vector<16xf32>
      %broadcast_in_dim3A_337 = arith.constant 6 : i32
      %broadcast_in_dim3A_338 = vector.broadcast %broadcast_in_dim3A_337 : i32 to vector<16xi32>
      %gather3A_339 = tpu.vector_load_idx %arg7[%broadcast_in_dim3A_338, %shift_right_logical3A_286, %and3A_289] : memref<7x128x128xf32, #tpu.memory_space<vmem>>[vector<16xi32>, vector<16xi32>, vector<16xi32>], vector<16xf32>,
      %gather3A_340 = tpu.vector_load_idx %arg8[%add3A_292, %broadcast_in_dim3A_338] : memref<112x8xf32, #tpu.memory_space<vmem>>[vector<16xi32>, vector<16xi32>], vector<16xf32>,
      %sub3A_341 = arith.subf %gather3A_339, %gather3A_340 : vector<16xf32>
      %mul3A_342 = arith.mulf %sub3A_341, %sub3A_341 : vector<16xf32>
      %add3A_343 = arith.addf %add3A_336, %mul3A_342 : vector<16xf32>
      %eq3A_344 = arith.constant 1.000000e+00 : f32
      %eq3A_345 = vector.broadcast %eq3A_344 : f32 to vector<16xf32>
      %eq3A_346 = arith.cmpf oeq, %get3A_283, %eq3A_345 : vector<16xf32>
      %jit3A_347 = arith.constant 0.000000e+00 : f32
      %broadcast_in_dim3A_348 = vector.broadcast %jit3A_347 : f32 to vector<16xf32>
      %select_n3A_349 = arith.select %eq3A_346, %add3A_343, %broadcast_in_dim3A_348 : vector<16xi1>, vector<16xf32>
      %add3A_350 = arith.addf %add3A_279, %select_n3A_349 : vector<16xf32>
      %get3A_351 = arith.constant 80 : index
      %get3A_352 = tpu.vector_load %arg9[%get3A_351] {strides = array<i32>} : memref<112xi32, #tpu.memory_space<vmem>>, vector<16xi32>,
      %get3A_353 = arith.constant 80 : index
      %get3A_354 = tpu.vector_load %arg10[%get3A_353] {strides = array<i32>} : memref<112xf32, #tpu.memory_space<vmem>>, vector<16xf32>,
      %shift_right_logical3A_355 = arith.constant 7 : i32
      %shift_right_logical3A_356 = vector.broadcast %shift_right_logical3A_355 : i32 to vector<16xi32>
      %shift_right_logical3A_357 = arith.shrui %get3A_352, %shift_right_logical3A_356 : vector<16xi32>
      %and3A_358 = arith.constant 127 : i32
      %and3A_359 = vector.broadcast %and3A_358 : i32 to vector<16xi32>
      %and3A_360 = arith.andi %get3A_352, %and3A_359 : vector<16xi32>
      %add3A_361 = arith.constant 80 : i32
      %add3A_362 = vector.broadcast %add3A_361 : i32 to vector<16xi32>
      %add3A_363 = arith.addi %add3A_362, %iota3A : vector<16xi32>
      %broadcast_in_dim3A_364 = arith.constant 0.000000e+00 : f32
      %broadcast_in_dim3A_365 = vector.broadcast %broadcast_in_dim3A_364 : f32 to vector<16xf32>
      %broadcast_in_dim3A_366 = arith.constant 0 : i32
      %broadcast_in_dim3A_367 = vector.broadcast %broadcast_in_dim3A_366 : i32 to vector<16xi32>
      %gather3A_368 = tpu.vector_load_idx %arg7[%broadcast_in_dim3A_367, %shift_right_logical3A_357, %and3A_360] : memref<7x128x128xf32, #tpu.memory_space<vmem>>[vector<16xi32>, vector<16xi32>, vector<16xi32>], vector<16xf32>,
      %gather3A_369 = tpu.vector_load_idx %arg8[%add3A_363, %broadcast_in_dim3A_367] : memref<112x8xf32, #tpu.memory_space<vmem>>[vector<16xi32>, vector<16xi32>], vector<16xf32>,
      %sub3A_370 = arith.subf %gather3A_368, %gather3A_369 : vector<16xf32>
      %mul3A_371 = arith.mulf %sub3A_370, %sub3A_370 : vector<16xf32>
      %add3A_372 = arith.addf %broadcast_in_dim3A_365, %mul3A_371 : vector<16xf32>
      %broadcast_in_dim3A_373 = arith.constant 1 : i32
      %broadcast_in_dim3A_374 = vector.broadcast %broadcast_in_dim3A_373 : i32 to vector<16xi32>
      %gather3A_375 = tpu.vector_load_idx %arg7[%broadcast_in_dim3A_374, %shift_right_logical3A_357, %and3A_360] : memref<7x128x128xf32, #tpu.memory_space<vmem>>[vector<16xi32>, vector<16xi32>, vector<16xi32>], vector<16xf32>,
      %gather3A_376 = tpu.vector_load_idx %arg8[%add3A_363, %broadcast_in_dim3A_374] : memref<112x8xf32, #tpu.memory_space<vmem>>[vector<16xi32>, vector<16xi32>], vector<16xf32>,
      %sub3A_377 = arith.subf %gather3A_375, %gather3A_376 : vector<16xf32>
      %mul3A_378 = arith.mulf %sub3A_377, %sub3A_377 : vector<16xf32>
      %add3A_379 = arith.addf %add3A_372, %mul3A_378 : vector<16xf32>
      %broadcast_in_dim3A_380 = arith.constant 2 : i32
      %broadcast_in_dim3A_381 = vector.broadcast %broadcast_in_dim3A_380 : i32 to vector<16xi32>
      %gather3A_382 = tpu.vector_load_idx %arg7[%broadcast_in_dim3A_381, %shift_right_logical3A_357, %and3A_360] : memref<7x128x128xf32, #tpu.memory_space<vmem>>[vector<16xi32>, vector<16xi32>, vector<16xi32>], vector<16xf32>,
      %gather3A_383 = tpu.vector_load_idx %arg8[%add3A_363, %broadcast_in_dim3A_381] : memref<112x8xf32, #tpu.memory_space<vmem>>[vector<16xi32>, vector<16xi32>], vector<16xf32>,
      %sub3A_384 = arith.subf %gather3A_382, %gather3A_383 : vector<16xf32>
      %mul3A_385 = arith.mulf %sub3A_384, %sub3A_384 : vector<16xf32>
      %add3A_386 = arith.addf %add3A_379, %mul3A_385 : vector<16xf32>
      %broadcast_in_dim3A_387 = arith.constant 3 : i32
      %broadcast_in_dim3A_388 = vector.broadcast %broadcast_in_dim3A_387 : i32 to vector<16xi32>
      %gather3A_389 = tpu.vector_load_idx %arg7[%broadcast_in_dim3A_388, %shift_right_logical3A_357, %and3A_360] : memref<7x128x128xf32, #tpu.memory_space<vmem>>[vector<16xi32>, vector<16xi32>, vector<16xi32>], vector<16xf32>,
      %gather3A_390 = tpu.vector_load_idx %arg8[%add3A_363, %broadcast_in_dim3A_388] : memref<112x8xf32, #tpu.memory_space<vmem>>[vector<16xi32>, vector<16xi32>], vector<16xf32>,
      %sub3A_391 = arith.subf %gather3A_389, %gather3A_390 : vector<16xf32>
      %mul3A_392 = arith.mulf %sub3A_391, %sub3A_391 : vector<16xf32>
      %add3A_393 = arith.addf %add3A_386, %mul3A_392 : vector<16xf32>
      %broadcast_in_dim3A_394 = arith.constant 4 : i32
      %broadcast_in_dim3A_395 = vector.broadcast %broadcast_in_dim3A_394 : i32 to vector<16xi32>
      %gather3A_396 = tpu.vector_load_idx %arg7[%broadcast_in_dim3A_395, %shift_right_logical3A_357, %and3A_360] : memref<7x128x128xf32, #tpu.memory_space<vmem>>[vector<16xi32>, vector<16xi32>, vector<16xi32>], vector<16xf32>,
      %gather3A_397 = tpu.vector_load_idx %arg8[%add3A_363, %broadcast_in_dim3A_395] : memref<112x8xf32, #tpu.memory_space<vmem>>[vector<16xi32>, vector<16xi32>], vector<16xf32>,
      %sub3A_398 = arith.subf %gather3A_396, %gather3A_397 : vector<16xf32>
      %mul3A_399 = arith.mulf %sub3A_398, %sub3A_398 : vector<16xf32>
      %add3A_400 = arith.addf %add3A_393, %mul3A_399 : vector<16xf32>
      %broadcast_in_dim3A_401 = arith.constant 5 : i32
      %broadcast_in_dim3A_402 = vector.broadcast %broadcast_in_dim3A_401 : i32 to vector<16xi32>
      %gather3A_403 = tpu.vector_load_idx %arg7[%broadcast_in_dim3A_402, %shift_right_logical3A_357, %and3A_360] : memref<7x128x128xf32, #tpu.memory_space<vmem>>[vector<16xi32>, vector<16xi32>, vector<16xi32>], vector<16xf32>,
      %gather3A_404 = tpu.vector_load_idx %arg8[%add3A_363, %broadcast_in_dim3A_402] : memref<112x8xf32, #tpu.memory_space<vmem>>[vector<16xi32>, vector<16xi32>], vector<16xf32>,
      %sub3A_405 = arith.subf %gather3A_403, %gather3A_404 : vector<16xf32>
      %mul3A_406 = arith.mulf %sub3A_405, %sub3A_405 : vector<16xf32>
      %add3A_407 = arith.addf %add3A_400, %mul3A_406 : vector<16xf32>
      %broadcast_in_dim3A_408 = arith.constant 6 : i32
      %broadcast_in_dim3A_409 = vector.broadcast %broadcast_in_dim3A_408 : i32 to vector<16xi32>
      %gather3A_410 = tpu.vector_load_idx %arg7[%broadcast_in_dim3A_409, %shift_right_logical3A_357, %and3A_360] : memref<7x128x128xf32, #tpu.memory_space<vmem>>[vector<16xi32>, vector<16xi32>, vector<16xi32>], vector<16xf32>,
      %gather3A_411 = tpu.vector_load_idx %arg8[%add3A_363, %broadcast_in_dim3A_409] : memref<112x8xf32, #tpu.memory_space<vmem>>[vector<16xi32>, vector<16xi32>], vector<16xf32>,
      %sub3A_412 = arith.subf %gather3A_410, %gather3A_411 : vector<16xf32>
      %mul3A_413 = arith.mulf %sub3A_412, %sub3A_412 : vector<16xf32>
      %add3A_414 = arith.addf %add3A_407, %mul3A_413 : vector<16xf32>
      %eq3A_415 = arith.constant 1.000000e+00 : f32
      %eq3A_416 = vector.broadcast %eq3A_415 : f32 to vector<16xf32>
      %eq3A_417 = arith.cmpf oeq, %get3A_354, %eq3A_416 : vector<16xf32>
      %jit3A_418 = arith.constant 0.000000e+00 : f32
      %broadcast_in_dim3A_419 = vector.broadcast %jit3A_418 : f32 to vector<16xf32>
      %select_n3A_420 = arith.select %eq3A_417, %add3A_414, %broadcast_in_dim3A_419 : vector<16xi1>, vector<16xf32>
      %add3A_421 = arith.addf %add3A_350, %select_n3A_420 : vector<16xf32>
      %get3A_422 = arith.constant 96 : index
      %get3A_423 = tpu.vector_load %arg9[%get3A_422] {strides = array<i32>} : memref<112xi32, #tpu.memory_space<vmem>>, vector<16xi32>,
      %get3A_424 = arith.constant 96 : index
      %get3A_425 = tpu.vector_load %arg10[%get3A_424] {strides = array<i32>} : memref<112xf32, #tpu.memory_space<vmem>>, vector<16xf32>,
      %shift_right_logical3A_426 = arith.constant 7 : i32
      %shift_right_logical3A_427 = vector.broadcast %shift_right_logical3A_426 : i32 to vector<16xi32>
      %shift_right_logical3A_428 = arith.shrui %get3A_423, %shift_right_logical3A_427 : vector<16xi32>
      %and3A_429 = arith.constant 127 : i32
      %and3A_430 = vector.broadcast %and3A_429 : i32 to vector<16xi32>
      %and3A_431 = arith.andi %get3A_423, %and3A_430 : vector<16xi32>
      %add3A_432 = arith.constant 96 : i32
      %add3A_433 = vector.broadcast %add3A_432 : i32 to vector<16xi32>
      %add3A_434 = arith.addi %add3A_433, %iota3A : vector<16xi32>
      %broadcast_in_dim3A_435 = arith.constant 0.000000e+00 : f32
      %broadcast_in_dim3A_436 = vector.broadcast %broadcast_in_dim3A_435 : f32 to vector<16xf32>
      %broadcast_in_dim3A_437 = arith.constant 0 : i32
      %broadcast_in_dim3A_438 = vector.broadcast %broadcast_in_dim3A_437 : i32 to vector<16xi32>
      %gather3A_439 = tpu.vector_load_idx %arg7[%broadcast_in_dim3A_438, %shift_right_logical3A_428, %and3A_431] : memref<7x128x128xf32, #tpu.memory_space<vmem>>[vector<16xi32>, vector<16xi32>, vector<16xi32>], vector<16xf32>,
      %gather3A_440 = tpu.vector_load_idx %arg8[%add3A_434, %broadcast_in_dim3A_438] : memref<112x8xf32, #tpu.memory_space<vmem>>[vector<16xi32>, vector<16xi32>], vector<16xf32>,
      %sub3A_441 = arith.subf %gather3A_439, %gather3A_440 : vector<16xf32>
      %mul3A_442 = arith.mulf %sub3A_441, %sub3A_441 : vector<16xf32>
      %add3A_443 = arith.addf %broadcast_in_dim3A_436, %mul3A_442 : vector<16xf32>
      %broadcast_in_dim3A_444 = arith.constant 1 : i32
      %broadcast_in_dim3A_445 = vector.broadcast %broadcast_in_dim3A_444 : i32 to vector<16xi32>
      %gather3A_446 = tpu.vector_load_idx %arg7[%broadcast_in_dim3A_445, %shift_right_logical3A_428, %and3A_431] : memref<7x128x128xf32, #tpu.memory_space<vmem>>[vector<16xi32>, vector<16xi32>, vector<16xi32>], vector<16xf32>,
      %gather3A_447 = tpu.vector_load_idx %arg8[%add3A_434, %broadcast_in_dim3A_445] : memref<112x8xf32, #tpu.memory_space<vmem>>[vector<16xi32>, vector<16xi32>], vector<16xf32>,
      %sub3A_448 = arith.subf %gather3A_446, %gather3A_447 : vector<16xf32>
      %mul3A_449 = arith.mulf %sub3A_448, %sub3A_448 : vector<16xf32>
      %add3A_450 = arith.addf %add3A_443, %mul3A_449 : vector<16xf32>
      %broadcast_in_dim3A_451 = arith.constant 2 : i32
      %broadcast_in_dim3A_452 = vector.broadcast %broadcast_in_dim3A_451 : i32 to vector<16xi32>
      %gather3A_453 = tpu.vector_load_idx %arg7[%broadcast_in_dim3A_452, %shift_right_logical3A_428, %and3A_431] : memref<7x128x128xf32, #tpu.memory_space<vmem>>[vector<16xi32>, vector<16xi32>, vector<16xi32>], vector<16xf32>,
      %gather3A_454 = tpu.vector_load_idx %arg8[%add3A_434, %broadcast_in_dim3A_452] : memref<112x8xf32, #tpu.memory_space<vmem>>[vector<16xi32>, vector<16xi32>], vector<16xf32>,
      %sub3A_455 = arith.subf %gather3A_453, %gather3A_454 : vector<16xf32>
      %mul3A_456 = arith.mulf %sub3A_455, %sub3A_455 : vector<16xf32>
      %add3A_457 = arith.addf %add3A_450, %mul3A_456 : vector<16xf32>
      %broadcast_in_dim3A_458 = arith.constant 3 : i32
      %broadcast_in_dim3A_459 = vector.broadcast %broadcast_in_dim3A_458 : i32 to vector<16xi32>
      %gather3A_460 = tpu.vector_load_idx %arg7[%broadcast_in_dim3A_459, %shift_right_logical3A_428, %and3A_431] : memref<7x128x128xf32, #tpu.memory_space<vmem>>[vector<16xi32>, vector<16xi32>, vector<16xi32>], vector<16xf32>,
      %gather3A_461 = tpu.vector_load_idx %arg8[%add3A_434, %broadcast_in_dim3A_459] : memref<112x8xf32, #tpu.memory_space<vmem>>[vector<16xi32>, vector<16xi32>], vector<16xf32>,
      %sub3A_462 = arith.subf %gather3A_460, %gather3A_461 : vector<16xf32>
      %mul3A_463 = arith.mulf %sub3A_462, %sub3A_462 : vector<16xf32>
      %add3A_464 = arith.addf %add3A_457, %mul3A_463 : vector<16xf32>
      %broadcast_in_dim3A_465 = arith.constant 4 : i32
      %broadcast_in_dim3A_466 = vector.broadcast %broadcast_in_dim3A_465 : i32 to vector<16xi32>
      %gather3A_467 = tpu.vector_load_idx %arg7[%broadcast_in_dim3A_466, %shift_right_logical3A_428, %and3A_431] : memref<7x128x128xf32, #tpu.memory_space<vmem>>[vector<16xi32>, vector<16xi32>, vector<16xi32>], vector<16xf32>,
      %gather3A_468 = tpu.vector_load_idx %arg8[%add3A_434, %broadcast_in_dim3A_466] : memref<112x8xf32, #tpu.memory_space<vmem>>[vector<16xi32>, vector<16xi32>], vector<16xf32>,
      %sub3A_469 = arith.subf %gather3A_467, %gather3A_468 : vector<16xf32>
      %mul3A_470 = arith.mulf %sub3A_469, %sub3A_469 : vector<16xf32>
      %add3A_471 = arith.addf %add3A_464, %mul3A_470 : vector<16xf32>
      %broadcast_in_dim3A_472 = arith.constant 5 : i32
      %broadcast_in_dim3A_473 = vector.broadcast %broadcast_in_dim3A_472 : i32 to vector<16xi32>
      %gather3A_474 = tpu.vector_load_idx %arg7[%broadcast_in_dim3A_473, %shift_right_logical3A_428, %and3A_431] : memref<7x128x128xf32, #tpu.memory_space<vmem>>[vector<16xi32>, vector<16xi32>, vector<16xi32>], vector<16xf32>,
      %gather3A_475 = tpu.vector_load_idx %arg8[%add3A_434, %broadcast_in_dim3A_473] : memref<112x8xf32, #tpu.memory_space<vmem>>[vector<16xi32>, vector<16xi32>], vector<16xf32>,
      %sub3A_476 = arith.subf %gather3A_474, %gather3A_475 : vector<16xf32>
      %mul3A_477 = arith.mulf %sub3A_476, %sub3A_476 : vector<16xf32>
      %add3A_478 = arith.addf %add3A_471, %mul3A_477 : vector<16xf32>
      %broadcast_in_dim3A_479 = arith.constant 6 : i32
      %broadcast_in_dim3A_480 = vector.broadcast %broadcast_in_dim3A_479 : i32 to vector<16xi32>
      %gather3A_481 = tpu.vector_load_idx %arg7[%broadcast_in_dim3A_480, %shift_right_logical3A_428, %and3A_431] : memref<7x128x128xf32, #tpu.memory_space<vmem>>[vector<16xi32>, vector<16xi32>, vector<16xi32>], vector<16xf32>,
      %gather3A_482 = tpu.vector_load_idx %arg8[%add3A_434, %broadcast_in_dim3A_480] : memref<112x8xf32, #tpu.memory_space<vmem>>[vector<16xi32>, vector<16xi32>], vector<16xf32>,
      %sub3A_483 = arith.subf %gather3A_481, %gather3A_482 : vector<16xf32>
      %mul3A_484 = arith.mulf %sub3A_483, %sub3A_483 : vector<16xf32>
      %add3A_485 = arith.addf %add3A_478, %mul3A_484 : vector<16xf32>
      %eq3A_486 = arith.constant 1.000000e+00 : f32
      %eq3A_487 = vector.broadcast %eq3A_486 : f32 to vector<16xf32>
      %eq3A_488 = arith.cmpf oeq, %get3A_425, %eq3A_487 : vector<16xf32>
      %jit3A_489 = arith.constant 0.000000e+00 : f32
      %broadcast_in_dim3A_490 = vector.broadcast %jit3A_489 : f32 to vector<16xf32>
      %select_n3A_491 = arith.select %eq3A_488, %add3A_485, %broadcast_in_dim3A_490 : vector<16xi1>, vector<16xf32>
      %add3A_492 = arith.addf %add3A_421, %select_n3A_491 : vector<16xf32>
      %reduce_sum3A = arith.constant true
      %reduce_sum3A_493 = vector.broadcast %reduce_sum3A : i1 to vector<16xi1>
      %reduce_sum3A_494 = tpu.scan <sum>, %add3A_492 masked %reduce_sum3A_493 : vector<16xf32>, vector<16xi1> -> vector<16xf32>
      %reduce_sum3A_495 = vector.extract %reduce_sum3A_494[15] : f32 from vector<16xf32>
      %broadcast_in_dim3A_496 = vector.broadcast %reduce_sum3A_495 : f32 to vector<16xf32>
      %swap3A = arith.constant 0 : index
      %swap3A_497 = tpu.vector_load %arg11[%swap3A] {strides = array<i32>} : memref<16xf32, #tpu.memory_space<vmem>>, vector<16xf32>,
      tpu.vector_store %arg11[%swap3A], %broadcast_in_dim3A_496 {strides = array<i32>} : memref<16xf32, #tpu.memory_space<vmem>>, vector<16xf32>,
      "tpu.region"() ({
        %run_scoped3A = tpu.sem_alloc : memref<!tpu.dma_semaphore, #tpu.memory_space<semaphore_mem>>
        %dma_start3A = arith.constant 0 : i32
        %dma_start3A_498 = tpu.memref_slice %arg6[%add3A, %dma_start3A] : memref<8x16xf32, #tpu.memory_space<hbm>> -> memref<1x16xf32, #tpu.memory_space<hbm>>
        %dma_start3A_499 = tpu.memref_squeeze %dma_start3A_498 : memref<1x16xf32, #tpu.memory_space<hbm>> -> memref<16xf32, #tpu.memory_space<hbm>>
        %dma_start3A_500 = arith.constant 0 : i32
        %dma_start3A_501 = tpu.memref_slice %arg6[%add3A, %dma_start3A_500] : memref<8x16xf32, #tpu.memory_space<hbm>> -> memref<1x16xf32, #tpu.memory_space<hbm>>
        %dma_start3A_502 = tpu.memref_squeeze %dma_start3A_501 : memref<1x16xf32, #tpu.memory_space<hbm>> -> memref<16xf32, #tpu.memory_space<hbm>>
        tpu.enqueue_dma source(%arg11 : memref<16xf32, #tpu.memory_space<vmem>>) target(%dma_start3A_502 : memref<16xf32, #tpu.memory_space<hbm>>) target_semaphore(%run_scoped3A : memref<!tpu.dma_semaphore, #tpu.memory_space<semaphore_mem>>)
        %dma_wait3A = arith.constant 0 : i32
        %dma_wait3A_503 = tpu.memref_slice %arg6[%add3A, %dma_wait3A] : memref<8x16xf32, #tpu.memory_space<hbm>> -> memref<1x16xf32, #tpu.memory_space<hbm>>
        %dma_wait3A_504 = tpu.memref_squeeze %dma_wait3A_503 : memref<1x16xf32, #tpu.memory_space<hbm>> -> memref<16xf32, #tpu.memory_space<hbm>>
        %dma_wait3A_505 = arith.constant 0 : i32
        %dma_wait3A_506 = tpu.memref_slice %arg6[%add3A, %dma_wait3A_505] : memref<8x16xf32, #tpu.memory_space<hbm>> -> memref<1x16xf32, #tpu.memory_space<hbm>>
        %dma_wait3A_507 = tpu.memref_squeeze %dma_wait3A_506 : memref<1x16xf32, #tpu.memory_space<hbm>> -> memref<16xf32, #tpu.memory_space<hbm>>
        tpu.wait_dma2 semaphore(%run_scoped3A : memref<!tpu.dma_semaphore, #tpu.memory_space<semaphore_mem>>) src(%arg11 : memref<16xf32, #tpu.memory_space<vmem>>) dst(%dma_wait3A_507 : memref<16xf32, #tpu.memory_space<hbm>>)
        tpu.yield
      }) : () -> ()
    } else {
    }
    return
  }
}

module attributes {stable_mosaic.version = 14 : i64} {
  func.func @_argmax_body(%arg0: i32, %arg1: i32, %arg2: memref<1x16x128x128xf32, #tpu.memory_space<vmem>>, %arg3: memref<1x1x16xf32, #tpu.memory_space<vmem>>, %arg4: memref<1x1x16xi32, #tpu.memory_space<vmem>>) attributes {dimension_semantics = [#tpu.dimension_semantics<arbitrary>, #tpu.dimension_semantics<arbitrary>], iteration_bounds = array<i64: 8, 7>, scalar_prefetch = 0 : i64, scratch_operands = 0 : i64, tpu.core_type = #tpu.core_type<tc>, window_params = [{transform_indices = @transform_0, window_bounds = array<i64: 1, 16, 128, 128>}, {transform_indices = @transform_1, window_bounds = array<i64: 1, 1, 16>}, {transform_indices = @transform_2, window_bounds = array<i64: 1, 1, 16>}]} {
    %get3A = arith.constant 0 : index
    %get3A_0 = arith.constant 0 : index
    %get3A_1 = arith.constant 0 : index
    %get3A_2 = arith.constant 0 : index
    %get3A_3 = vector.load %arg2[%get3A, %get3A_0, %get3A_1, %get3A_2] : memref<1x16x128x128xf32, #tpu.memory_space<vmem>>, vector<1x16x128x128xf32>
    %get3A_4 = vector.shape_cast %get3A_3 : vector<1x16x128x128xf32> to vector<16x128x128xf32>
    %reduce_max3A = arith.constant dense<0xFF800000> : vector<16x128xf32>
    %reduce_max3A_5 = vector.multi_reduction <maximumf>, %get3A_4, %reduce_max3A [1] : vector<16x128x128xf32> to vector<16x128xf32>
    %reduce_max3A_6 = arith.constant dense<0xFF800000> : vector<16xf32>
    %reduce_max3A_7 = vector.multi_reduction <maximumf>, %reduce_max3A_5, %reduce_max3A_6 [1] : vector<16x128xf32> to vector<16xf32>
    %iota3A = tpu.iota {dimensions = array<i32: 1>} : vector<1x128x128xi32>
    %iota3A_8 = tpu.iota {dimensions = array<i32: 2>} : vector<1x128x128xi32>
    %mul3A = arith.constant 128 : i32
    %mul3A_9 = vector.broadcast %mul3A : i32 to vector<1x128x128xi32>
    %mul3A_10 = arith.muli %iota3A, %mul3A_9 : vector<1x128x128xi32>
    %add3A = arith.addi %mul3A_10, %iota3A_8 : vector<1x128x128xi32>
    %convert_element_type3A = arith.sitofp %add3A : vector<1x128x128xi32> to vector<1x128x128xf32>
    %broadcast_in_dim3A = vector.shape_cast %reduce_max3A_7 : vector<16xf32> to vector<16x1x1xf32>
    %eq3A = vector.broadcast %broadcast_in_dim3A : vector<16x1x1xf32> to vector<16x128x128xf32>
    %eq3A_11 = arith.cmpf oeq, %get3A_4, %eq3A : vector<16x128x128xf32>
    %jit3A = arith.constant 1.638400e+04 : f32
    %broadcast_in_dim3A_12 = vector.shape_cast %convert_element_type3A : vector<1x128x128xf32> to vector<1x128x128xf32>
    %broadcast_in_dim3A_13 = vector.broadcast %broadcast_in_dim3A_12 : vector<1x128x128xf32> to vector<16x128x128xf32>
    %broadcast_in_dim3A_14 = vector.broadcast %jit3A : f32 to vector<16x128x128xf32>
    %select_n3A = arith.select %eq3A_11, %broadcast_in_dim3A_13, %broadcast_in_dim3A_14 : vector<16x128x128xi1>, vector<16x128x128xf32>
    %reduce_min3A = arith.constant dense<0x7F800000> : vector<16xf32>
    %reduce_min3A_15 = vector.multi_reduction <minimumf>, %select_n3A, %reduce_min3A [1, 2] : vector<16x128x128xf32> to vector<16xf32>
    %convert_element_type3A_16 = arith.fptosi %reduce_min3A_15 : vector<16xf32> to vector<16xi32>
    %mul3A_17 = arith.constant 16 : i32
    %mul3A_18 = arith.muli %arg1, %mul3A_17 : i32
    %iota3A_19 = tpu.iota {dimensions = array<i32: 1>} : vector<1x16xi32>
    %iota3A_20 = vector.shape_cast %iota3A_19 : vector<1x16xi32> to vector<16xi32>
    %add3A_21 = vector.broadcast %mul3A_18 : i32 to vector<16xi32>
    %add3A_22 = arith.addi %add3A_21, %iota3A_20 : vector<16xi32>
    %lt3A = arith.constant 100 : i32
    %lt3A_23 = vector.broadcast %lt3A : i32 to vector<16xi32>
    %lt3A_24 = arith.cmpi slt, %add3A_22, %lt3A_23 : vector<16xi32>
    %jit3A_25 = arith.constant 0.000000e+00 : f32
    %broadcast_in_dim3A_26 = vector.broadcast %jit3A_25 : f32 to vector<16xf32>
    %select_n3A_27 = arith.select %lt3A_24, %reduce_max3A_7, %broadcast_in_dim3A_26 : vector<16xi1>, vector<16xf32>
    %swap3A = arith.constant 0 : index
    %swap3A_28 = arith.constant 0 : index
    %swap3A_29 = arith.constant 0 : index
    %swap3A_30 = vector.load %arg3[%swap3A, %swap3A_28, %swap3A_29] : memref<1x1x16xf32, #tpu.memory_space<vmem>>, vector<1x1x16xf32>
    %swap3A_31 = vector.shape_cast %swap3A_30 : vector<1x1x16xf32> to vector<16xf32>
    %swap3A_32 = vector.shape_cast %select_n3A_27 : vector<16xf32> to vector<1x1x16xf32>
    tpu.vector_store %arg3[%swap3A, %swap3A_28, %swap3A_29], %swap3A_32 {strides = array<i32>} : memref<1x1x16xf32, #tpu.memory_space<vmem>>, vector<1x1x16xf32>,
    %jit3A_33 = arith.constant 0 : i32
    %broadcast_in_dim3A_34 = vector.broadcast %jit3A_33 : i32 to vector<16xi32>
    %select_n3A_35 = arith.select %lt3A_24, %convert_element_type3A_16, %broadcast_in_dim3A_34 : vector<16xi1>, vector<16xi32>
    %swap3A_36 = arith.constant 0 : index
    %swap3A_37 = arith.constant 0 : index
    %swap3A_38 = arith.constant 0 : index
    %swap3A_39 = vector.load %arg4[%swap3A_36, %swap3A_37, %swap3A_38] : memref<1x1x16xi32, #tpu.memory_space<vmem>>, vector<1x1x16xi32>
    %swap3A_40 = vector.shape_cast %swap3A_39 : vector<1x1x16xi32> to vector<16xi32>
    %swap3A_41 = vector.shape_cast %select_n3A_35 : vector<16xi32> to vector<1x1x16xi32>
    tpu.vector_store %arg4[%swap3A_36, %swap3A_37, %swap3A_38], %swap3A_41 {strides = array<i32>} : memref<1x1x16xi32, #tpu.memory_space<vmem>>, vector<1x1x16xi32>,
    return
  }
  func.func @transform_0(%arg0: i32, %arg1: i32) -> (i32, i32, i32, i32) {
    %c0_i32 = arith.constant 0 : i32
    %c0_i32_0 = arith.constant 0 : i32
    %c0_i32_1 = arith.constant 0 : i32
    return %arg0, %arg1, %c0_i32, %c0_i32_0 : i32, i32, i32, i32
  }
  func.func @transform_1(%arg0: i32, %arg1: i32) -> (i32, i32, i32) {
    %mul3A = arith.constant 7 : i32
    %mul3A_0 = arith.muli %arg0, %mul3A : i32
    %add3A = arith.addi %mul3A_0, %arg1 : i32
    %c0_i32 = arith.constant 0 : i32
    %c0_i32_1 = arith.constant 0 : i32
    %c0_i32_2 = arith.constant 0 : i32
    return %add3A, %c0_i32, %c0_i32_1 : i32, i32, i32
  }
  func.func @transform_2(%arg0: i32, %arg1: i32) -> (i32, i32, i32) {
    %mul3A = arith.constant 7 : i32
    %mul3A_0 = arith.muli %arg0, %mul3A : i32
    %add3A = arith.addi %mul3A_0, %arg1 : i32
    %c0_i32 = arith.constant 0 : i32
    %c0_i32_1 = arith.constant 0 : i32
    %c0_i32_2 = arith.constant 0 : i32
    return %add3A, %c0_i32, %c0_i32_1 : i32, i32, i32
  }
}

</mosaic_0001>

<sc_bundles>
// kernel: kernel.4.cloned.1.call-start
scs
__scs_entry_jumppad:
0x0: {  	(pc) =	sbr.rel $0x88, $3  }
0x1: {  	(tag) =	ssettag $0x0;
	lr =	simm.s32 $0x1  }
0x2: {  	[smem:$0x3F9E] =	sst lr;
	_ =	strace $0xD0000000  }
0x3: {  	_ = 	snop  }
0x4: {  	_ = 	snop  }
0x5: {  	_ = 	snop  }
0x6: {  	_ = 	snop  }
0x7: {  	_ = 	snop  }
__scs_overlays_trampoline_lowered:
0x8: {  	[smem:$0x3FAD] =	sst s0  }
0x9: {  	[smem:$0x3FAE] =	sst s1  }
0xa: {  	[smem:$0x3FAF] =	sst s2  }
0xb: {  	[smem:$0x3FB0] =	sst s3  }
0xc: {  	[smem:$0x3FB1] =	sst s4  }
0xd: {  	[smem:$0x3FB2] =	sst s5  }
0xe: {  	[smem:$0x3FB3] =	sst s6  }
0xf: {  	[smem:$0x3FB4] =	sst s7  }
0x10: {  	[smem:$0x3FB5] =	sst s8  }
0x11: {  	[smem:$0x3FB6] =	sst s9;
	s0 =	simm.s32 @!p0 $0x0  }
0x12: {  	s1 =	sld [smem:$0x3F9C];
	s0 =	simm.s32 @p0 $0x1  }
0x13: {  	[smem:$0x3FB7] =	sst s0;
	s0 =	simm.s32 @!p1 $0x0  }
0x14: {  	s2 =	sld [smem:$0x3F9B];
	s0 =	simm.s32 @p1 $0x1  }
0x15: {  	[smem:$0x3FB8] =	sst s0;
	s0 =	simm.s32 @!p2 $0x0  }
0x16: {  	s3 =	sld [smem:$0x3FDB];
	s0 =	simm.s32 @p2 $0x1  }
0x17: {  	s4 =	simm.s32 $0x1BF5;
	[smem:$0x3FBA] =	sst s0  }
0x18: {  	s0 =	sld [smem:$0x3F9D];
	_ =	swait.ge [sflag:s4], $0x0  }
0x19: {  	s7 =	sld [smem:$0x3F9E]  }
0x1a: {  	s8 =	sadd.s32 $0xFFFFE003, lr  }
0x1b: {  	s9 =	sadd.s32 $0xFFFFFEF7, lr;
	s5 =	simm.s32 $0xFFFFFFFF;
	p2 =	slt.u32 s8, $0xFFFFF086  }
0x1c: {  	p1 =	slt.u32 s9, $0xF7A;
	s5 =	simm.s32 @!p2 $0x0  }
0x1d: {  	s5 =	simm.s32 @p1 $0x1;
	p0 =	seq.s32 s7, s2  }
0x1e: {  	s7 =	smul.u32 @!p0 $0xF7A, s2;
	p2 =	seq.s32 @!p0 s5, $0x0  }
0x1f: {  	s9 =	smul.u32 $0xF7A, s1;
	s8 =	simm.s32 @!p0 $0x1BF5;
	p2 =	por !p2, p0  }
0x20: {  	[sflag:s8] =	ssyncset.s32 @!p0 $0xFFFFF086;
	s6 =	sadd.s32 @!p0 s3, s7;
	s7 =	simm.s32 @!p0 $0x108  }
0x21: {  	s3 =	sadd.s32 s3, s9;
	s6 =	sadd.s32 @!p0 $0x88, s6;
	s7 =	simm.s32 @p2 $0x1082  }
0x22: {  	[simem:s7], [sflag:s8] =	dma.local @!p0 [hbm:s6], $0xF7A  }
0x23: {  	s9 =	sor.u32 $0xD0000000, s2;
	s6 =	simm.s32 $0x108;
	_ =	swait.ge @!p0 [sflag:s8], $0x0  }
0x24: {  	s3 =	sadd.s32 $0x88, s3;
	s6 =	simm.s32 @!p1 $0x1082;
	[sflag:s4] =	ssyncset.s32 $0xFFFFF086  }
0x25: {  	[simem:s6], [sflag:s4] =	dma.local [hbm:s3], $0xF7A  }
0x26: {  	[smem:$0x3F9E] =	sst s1;
	(tag) =	ssettag s2;
	_ =	strace s9  }
0x27: {  	s1 =	sld [smem:$0x3FAE]  }
0x28: {  	s2 =	sld [smem:$0x3FAF]  }
0x29: {  	s4 =	sld [smem:$0x3FB1]  }
0x2a: {  	p0 =	seq.s32 s5, $0x0;
	s5 =	sld [smem:$0x3FB2]  }
0x2b: {  	s6 =	sld [smem:$0x3FB3]  }
0x2c: {  	s7 =	sld [smem:$0x3FB4]  }
0x2d: {  	s3 =	simm.s32 $0x108;
	s8 =	sld [smem:$0x3FB5]  }
0x2e: {  	s3 =	simm.s32 @!p0 $0x1082;
	s9 =	sld [smem:$0x3FB6]  }
0x2f: {  	lr =	sadd.s32 s0, s3;
	s0 =	sld [smem:$0x3FAD]  }
0x30: {  	s3 =	sld [smem:$0x3FB0]  }
0x31: {  	[smem:$0x3FB9] =	sst s10  }
0x32: {  	s10 =	sld [smem:$0x3FB7];
	_ =	sdelay $0x3  }
0x33: {  	p0 =	seq.s32 s10, $0x1;
	s10 =	sld [smem:$0x3FB9];
	_ =	sdelay $0x3  }
0x34: {  	[smem:$0x3FB9] =	sst s10  }
0x35: {  	s10 =	sld [smem:$0x3FB8];
	_ =	sdelay $0x3  }
0x36: {  	p1 =	seq.s32 s10, $0x1;
	s10 =	sld [smem:$0x3FB9];
	_ =	sdelay $0x3  }
0x37: {  	[smem:$0x3FB9] =	sst s10  }
0x38: {  	s10 =	sld [smem:$0x3FBA]  }
0x39: {  	_ = 	snop;
	(pc) =	sbr.ind lr, $3  }
0x3a: {  	_ = 	snop  }
0x3b: {  	_ = 	snop  }
0x3c: {  	p2 =	seq.s32 s10, $0x1;
	s10 =	sld [smem:$0x3FB9]  }
0x3d: {  	_ =	shalt  }
0x3e: {  	_ =	shalt  }
0x3f: {  	_ =	shalt  }
0x40: {  	_ =	shalt  }
0x41: {  	_ =	shalt  }
0x42: {  	_ =	shalt  }
0x43: {  	_ =	shalt  }
0x44: {  	_ =	shalt  }
0x45: {  	_ =	shalt  }
0x46: {  	_ =	shalt  }
0x47: {  	_ =	shalt  }
0x48: {  	_ =	shalt  }
0x49: {  	_ =	shalt  }
0x4a: {  	_ =	shalt  }
0x4b: {  	_ =	shalt  }
0x4c: {  	_ =	shalt  }
0x4d: {  	_ =	shalt  }
0x4e: {  	_ =	shalt  }
0x4f: {  	_ =	shalt  }
0x50: {  	_ =	shalt  }
0x51: {  	_ =	shalt  }
0x52: {  	_ =	shalt  }
0x53: {  	_ =	shalt  }
0x54: {  	_ =	shalt  }
0x55: {  	_ =	shalt  }
0x56: {  	_ =	shalt  }
0x57: {  	_ =	shalt  }
0x58: {  	_ =	shalt  }
0x59: {  	_ =	shalt  }
0x5a: {  	_ =	shalt  }
0x5b: {  	_ =	shalt  }
0x5c: {  	_ =	shalt  }
0x5d: {  	_ =	shalt  }
0x5e: {  	_ =	shalt  }
0x5f: {  	_ =	shalt  }
0x60: {  	_ =	shalt  }
0x61: {  	_ =	shalt  }
0x62: {  	_ =	shalt  }
0x63: {  	_ =	shalt  }
0x64: {  	_ =	shalt  }
0x65: {  	_ =	shalt  }
0x66: {  	_ =	shalt  }
0x67: {  	_ =	shalt  }
0x68: {  	_ =	shalt  }
0x69: {  	_ =	shalt  }
0x6a: {  	_ =	shalt  }
0x6b: {  	_ =	shalt  }
0x6c: {  	_ =	shalt  }
0x6d: {  	_ =	shalt  }
0x6e: {  	_ =	shalt  }
0x6f: {  	_ =	shalt  }
0x70: {  	_ =	shalt  }
0x71: {  	_ =	shalt  }
0x72: {  	_ =	shalt  }
0x73: {  	_ =	shalt  }
0x74: {  	_ =	shalt  }
0x75: {  	_ =	shalt  }
0x76: {  	_ =	shalt  }
0x77: {  	_ =	shalt  }
0x78: {  	_ =	shalt  }
0x79: {  	_ =	shalt  }
0x7a: {  	_ =	shalt  }
0x7b: {  	_ =	shalt  }
0x7c: {  	_ =	shalt  }
0x7d: {  	_ =	shalt  }
0x7e: {  	_ =	shalt  }
0x7f: {  	_ =	shalt  }
0x80: {  	_ =	shalt  }
0x81: {  	_ =	shalt  }
0x82: {  	_ =	shalt  }
0x83: {  	_ =	shalt  }
0x84: {  	_ =	shalt  }
0x85: {  	_ =	shalt  }
0x86: {  	_ =	shalt  }
0x87: {  	_ =	shalt  }
.Lfunc_end0:
.L_simem_size_0:
called_computation_lowered:
.L_overlay_start_0:
0x88: {  	s2 =	sld [smem:$0x3FD9]  }
0x89: {  	s3 =	sld [smem:$0x3FFE];
	_ =	sdelay $0x1  }
0x8a: {  	s1 =	srdreg.scid  }
0x8b: {  	s0 =	sand.u32 $0x1, s1  }
0x8c: {  	s17 =	sshll.u32 s0, $0xA;
	s2 =	sadd.s32 s3, s2  }
0x8d: {  	s2 =	sadd.s32 s2, s17  }
0x8e: {  	[smem:$0x3FC5] =	sst s2  }
0x8f: {  	_ = 	snop  }
0x90: {  	s2 =	sld [smem:$0x3FC9];
	(tm) =	ssettm $0x1  }
0x91: {  	s18 =	sld [smem:$0x3FFB];
	_ =	sdelay $0x3  }
0x92: {  	_ =	strace s18  }
0x93: {  	s3 =	sld [smem:$0x3FFC];
	_ =	sdelay $0x3  }
0x94: {  	_ =	strace s3  }
0x95: {  	s3 =	sld [smem:$0x3FFD];
	_ =	sdelay $0x3  }
0x96: {  	_ =	strace s3  }
0x97: {  	_ =	strace $0x8FFFFFFF  }
0x98: {  	s19 =	sld [smem:$0x3FDB];
	_ =	sdelay $0x1  }
0x99: {  	s4 =	simm.s32 $_scs_section_size  }
0x9a: {  	s5 =	simm.s32 $_size__tile_overlayer_lowered;
	s6 =	simm.s32 $_tile_overlayer_lowered  }
0x9b: {  	s22 =	simm.s32 $0x1BFF;
	s21 =	sshll.u32 s6, $0x1;
	s3 =	sadd.s32 s4, s19  }
0x9c: {  	s7 =	simm.s32 $0x0;
	s20 =	sshll.u32 s5, $0x1;
	s5 =	sadd.s32 s21, s3  }
0x9d: {  	[timem:s7], [sflag:s22] =	dma.local [hbm:s5], s20  }
0x9e: {  	_ =	swait.ge [sflag:s22], s20  }
0x9f: {  	s4 =	ssub.s32 $0x0, s20;
	[sflag:s22] =	ssyncset.done $0x0  }
0xa0: {  	[sflag:s22] =	ssyncadd.s32 s4;
	_ =	sdelay $0x1  }
0xa1: {  	s23 =	simm.s32 $0x1B8B  }
0xa2: {  	_ =	swait.ge [sflag:s23], $0x1  }
0xa3: {  	[sflag:s23] =	ssyncset.done $0x0  }
0xa4: {  	s25 =	simm.s32 $0x1B8E;
	s24 =	sld [smem:$0x3FFE];
	[sflag:s23] =	ssyncadd.s32 $0xFFFFFFFF  }
0xa5: {  	s26 =	simm.s32 $execute0_lowered;
	[smem:$0x3FD2] =	sst s25  }
0xa6: {  	s5 =	sshll.u32 s26, $0x1;
	_ =	strace $0x80000046;
	[dreg:$0x1] =	wrdreg $0xFFFFFFFF  }
0xa7: {  	s28 =	simm.s32 $_size_execute0_lowered;
	s3 =	sadd.s32 s3, s5;
	[dreg:$0x0] =	wrdreg $0x0  }
0xa8: {  	s5 =	sshll.u32 s28, $0x1;
	[dreg:$0x2] =	wrdreg s3  }
0xa9: {  	[dreg:$0x3] =	wrdreg s5  }
0xaa: {  	[dreg:$0x4] =	wrdreg $0xC0  }
0xab: {  	_ =	task [dreg:s7], $0x5FFFF  }
0xac: {  	[dreg:$0x1] =	wrdreg $0xFFFFFFFF  }
0xad: {  	[dreg:$0x0] =	wrdreg $0x60  }
0xae: {  	[dreg:$0x2] =	wrdreg s2  }
0xaf: {  	[dreg:$0x3] =	wrdreg s24  }
0xb0: {  	[dreg:$0x4] =	wrdreg $0x9  }
0xb1: {  	_ =	task.clear_ibuf [dreg:s7], $0x5FFFF;
	_ =	strace $0x90000046  }
0xb2: {  	s29 =	simm.s32 $0x9;
	_ =	strace $0x80000048  }
0xb3: {  	_ =	swait.ge [sflag:s29], $0x1  }
0xb4: {  	[sflag:s29] =	ssyncadd.s32 $0xFFFFFFFF  }
0xb5: {  	_ =	strace $0x90000048  }
0xb6: {  	_ =	sfence  }
0xb7: {  	s30 =	sld [smem:$0x0];
	_ =	sdelay $0x2  }
0xb8: {  	s31 =	sshll.u32 s1, $0xD;
	s1 =	sshrl.u32 s1, $0x2  }
0xb9: {  	s3 =	sand.u32 $0x4000, s31;
	s1 =	sadd.s32 s1, s30  }
0xba: {  	s0 =	sor.u32 s3, s0;
	s1 =	sshll.u32 s1, $0x11  }
0xbb: {  	s0 =	sor.u32 s1, s0  }
0xbc: {  	s0 =	sadd.s32 $0x8F2B, s0  }
0xbd: {  	[sflag:s0] =	ssyncadd.remote.s32 $0x1  }
0xbe: {  	_ =	sfence.sel $0xFFFF  }
0xbf: {  	[dreg:$0x0] =	wrdreg $0xFFFFFFFF;
	(pc) =	sbr.abs _section_cstart, $3  }
0xc0: {  	[dreg:$0x1] =	wrdreg $0xFFFFFFFF  }
0xc1: {  	_ =	task.clear_ibuf [dreg:s7], $0x2FFFF;
	_ =	strace $0x9FFFFFFF  }
0xc2: {  	(tm) =	ssettm $0x7FFFFFFF  }
0xc3: {  	_ =	shalt  }
tec
execute0_lowered:
.L_overlay_start_1:
0x0: {  	(tag) =	ssettag $0x1  }
0x1: {  	s1 =	stileid.u32  }
0x2: {  	p0 =	sgt.u32 s1, $0x3  }
.Ltmp0:
0x3: {  	_ = 	snop;
	(pc) =	sbr.rel @p0 .LBB2_3-.Ltmp0, $4  }
0x4: {  	s7 =	rddreg [dreg:$0x0]  }
0x5: {  	s4 =	rddreg [dreg:$0x1];
	s2 =	simm.s32 $0x0  }
0x6: {  	[smem:$0x7FF] =	sst s2  }
0x7: {  	s0 =	rddreg [dreg:$0x2];
	_ =	strace $0x80000047  }
0x8: {  	v0 =	vlaneseq.u32  }
0x9: {  	v0 =	vmul.u32 $0x80, v0;
	_ =	sdelay $0x1  }
0xa: {  	v1 =	vor.u32 $0x1, v0  }
0xb: {  	[tilespmem:$0x1FDB0] =	vst v1;
	v1 =	vor.u32 $0x2, v0  }
0xc: {  	[tilespmem:$0x1FDC0] =	vst v1;
	v1 =	vor.u32 $0x3, v0  }
0xd: {  	[tilespmem:$0x1FDD0] =	vst v1;
	v1 =	vor.u32 $0x4, v0  }
0xe: {  	[tilespmem:$0x1FDE0] =	vst v1;
	v1 =	vor.u32 $0x5, v0  }
0xf: {  	[tilespmem:$0x1FDF0] =	vst v1;
	v1 =	vor.u32 $0x6, v0  }
0x10: {  	[tilespmem:$0x1FE00] =	vst v1;
	v1 =	vor.u32 $0x800, v0  }
0x11: {  	[tilespmem:$0x1FE10] =	vst v1;
	v1 =	vor.u32 $0x801, v0  }
0x12: {  	[tilespmem:$0x1FE20] =	vst v1;
	v1 =	vor.u32 $0x802, v0  }
0x13: {  	[tilespmem:$0x1FE30] =	vst v1;
	v1 =	vor.u32 $0x803, v0  }
0x14: {  	[tilespmem:$0x1FE40] =	vst v1;
	v1 =	vor.u32 $0x804, v0  }
0x15: {  	[tilespmem:$0x1FE50] =	vst v1;
	v1 =	vor.u32 $0x805, v0  }
0x16: {  	[tilespmem:$0x1FE60] =	vst v1;
	v1 =	vor.u32 $0x806, v0  }
0x17: {  	[tilespmem:$0x1FE70] =	vst v1;
	v1 =	vor.u32 $0x1000, v0  }
0x18: {  	[tilespmem:$0x1FE80] =	vst v1;
	v1 =	vor.u32 $0x1001, v0  }
0x19: {  	[tilespmem:$0x1FE90] =	vst v1;
	v1 =	vor.u32 $0x1002, v0  }
0x1a: {  	[tilespmem:$0x1FEA0] =	vst v1;
	v1 =	vor.u32 $0x1003, v0  }
0x1b: {  	[tilespmem:$0x1FEB0] =	vst v1;
	v1 =	vor.u32 $0x1004, v0  }
0x1c: {  	[tilespmem:$0x1FEC0] =	vst v1;
	v1 =	vor.u32 $0x1005, v0  }
0x1d: {  	[tilespmem:$0x1FED0] =	vst v1;
	v1 =	vor.u32 $0x1006, v0  }
0x1e: {  	[tilespmem:$0x1FEE0] =	vst v1;
	v1 =	vor.u32 $0x1800, v0  }
0x1f: {  	[tilespmem:$0x1FEF0] =	vst v1;
	v1 =	vor.u32 $0x1801, v0  }
0x20: {  	[tilespmem:$0x1FF00] =	vst v1;
	v1 =	vor.u32 $0x1802, v0  }
0x21: {  	[tilespmem:$0x1FF10] =	vst v1;
	v1 =	vor.u32 $0x1803, v0  }
0x22: {  	[tilespmem:$0x1FF20] =	vst v1;
	v1 =	vor.u32 $0x1804, v0  }
0x23: {  	[tilespmem:$0x1FF30] =	vst v1;
	v1 =	vor.u32 $0x1805, v0  }
0x24: {  	[tilespmem:$0x1FF40] =	vst v1;
	v1 =	vor.u32 $0x1806, v0  }
0x25: {  	[tilespmem:$0x1FF50] =	vst v1;
	v1 =	vor.u32 $0x2000, v0  }
0x26: {  	[tilespmem:$0x1FF60] =	vst v1;
	v1 =	vor.u32 $0x2001, v0  }
0x27: {  	[tilespmem:$0x1FF70] =	vst v1;
	v1 =	vor.u32 $0x2002, v0  }
0x28: {  	s3 =	srdreg.scid;
	[tilespmem:$0x1FF80] =	vst v1;
	v1 =	vor.u32 $0x2003, v0  }
0x29: {  	s30 =	sshll.u32 s1, $0x1;
	s11 =	simm.s32 $0x1F800;
	s5 =	sand.u32 $0x1, s3;
	[tilespmem:$0x1FF90] =	vst v1;
	v1 =	vor.u32 $0x2004, v0  }
0x2a: {  	s12 =	simm.s32 $0x1F880;
	s13 =	simm.s32 $0x1F900;
	s6 =	sor.u32 s5, s30;
	[tilespmem:$0x1FFA0] =	vst v1;
	v1 =	vor.u32 $0x2005, v0  }
0x2b: {  	s31 =	ssub.s32 $0x2, s5;
	s3 =	smul.u32 $0x680, s6;
	s10 =	sshll.u32 s6, $0xE;
	v38 =	vor.u32 $0x2803, v0;
	v39 =	vor.u32 $0x2804, v0;
	[tilespmem:$0x1FFB0] =	vst v1;
	v1 =	vor.u32 $0x2006, v0  }
0x2c: {  	s8 =	sshll.u32 s6, $0x4;
	s9 =	sshrl.u32 s31, $0x1;
	v40 =	vor.u32 $0x2805, v0;
	v41 =	vor.u32 $0x2806, v0;
	s7 =	sadd.s32 s7, s10;
	[tilespmem:$0x1FFC0] =	vst v1;
	v1 =	vor.u32 $0x2800, v0  }
0x2d: {  	v42 =	vor.u32 $0x3000, v0;
	v43 =	vor.u32 $0x3001, v0;
	s10 =	simm.s32 $0x1C000;
	s3 =	sadd.s32 s3, s4;
	s4 =	sadd.s32 s4, s8;
	[tilespmem:$0x1FFD0] =	vst v1;
	v1 =	vor.u32 $0x2801, v0  }
0x2e: {  	v44 =	vor.u32 $0x3002, v0;
	v45 =	vor.u32 $0x3003, v0;
	s8 =	ssub.s32 s31, s9;
	s9 =	simm.s32 $0x1;
	s3 =	sadd.s32 $0x400, s3;
	[tilespmem:$0x1FFE0] =	vst v1;
	v1 =	vor.u32 $0x2802, v0  }
0x2f: {  	v46 =	vor.u32 $0x3004, v0;
	v47 =	vor.u32 $0x3005, v0;
	v48 =	vor.u32 $0x3006, v0;
	s5 =	sadd.s32 $0x200, s4;
	s6 =	sadd.s32 $0x3800, s4;
	s8 =	smax.u32 s8, $0x1;
	[tilespmem:$0x1FFF0] =	vst v1  }
.LBB2_2:
0x30: {  	[tilespmem:s2], [sflag:$0x1] =	stream.linear.gather [hbm4b:s7+s2], $0x1C000, $0x38;
	[tilespmem:$0x1F980] =	vst v63  }
0x31: {  	_ =	swait.ge [sflag:s9], $0x1C000  }
0x32: {  	[sflag:s9] =	ssyncset.done $0x0  }
0x33: {  	[sflag:s9] =	ssyncadd.s32 $0xFFFE4000  }
0x34: {  	[tilespmem:s10], [sflag:$0x1] =	stream.linear.gather [hbm4b:s3+s2], $0x3200, $0x38;
	[tilespmem:$0x1F980] =	vst v63  }
0x35: {  	_ =	swait.ge [sflag:s9], $0x3200  }
0x36: {  	[sflag:s9] =	ssyncset.done $0x0  }
0x37: {  	[sflag:s9] =	ssyncadd.s32 $0xFFFFCE00  }
0x38: {  	[tilespmem:s11], [sflag:$0x1] =	stream.linear.gather [hbm4b:s4+s2], $0x80, $0x38;
	[tilespmem:$0x1F980] =	vst v63  }
0x39: {  	_ =	swait.ge [sflag:s9], $0x80  }
0x3a: {  	[sflag:s9] =	ssyncset.done $0x0  }
0x3b: {  	[sflag:s9] =	ssyncadd.s32 $0xFFFFFF80  }
0x3c: {  	[tilespmem:s12], [sflag:$0x1] =	stream.linear.gather [hbm4b:s5+s2], $0x80, $0x38;
	[tilespmem:$0x1F980] =	vst v63  }
0x3d: {  	_ =	swait.ge [sflag:s9], $0x80  }
0x3e: {  	v1 =	vld [tilespmem:$0x1FDB0]  }
0x3f: {  	v2 =	vld [tilespmem:$0x1FDF0]  }
0x40: {  	v4 =	vld [tilespmem:$0x1FE00]  }
0x41: {  	v6 =	vld [tilespmem:$0x1FE10]  }
0x42: {  	v9 =	vld [tilespmem:$0x1FE20]  }
0x43: {  	v11 =	vld [tilespmem:$0x1FE30]  }
0x44: {  	v12 =	vld [tilespmem:$0x1FE40]  }
0x45: {  	v15 =	vld [tilespmem:$0x1FE50]  }
0x46: {  	v17 =	vld [tilespmem:$0x1FE60]  }
0x47: {  	v18 =	vld [tilespmem:$0x1FE70]  }
0x48: {  	v21 =	vld [tilespmem:$0x1FE80]  }
0x49: {  	v24 =	vld [tilespmem:$0x1FE90]  }
0x4a: {  	[sflag:s9] =	ssyncset.done $0x0;
	v25 =	vld [tilespmem:$0x1FEA0]  }
0x4b: {  	v27 =	vld [tilespmem:$0x1FEB0];
	[sflag:s9] =	ssyncadd.s32 $0xFFFFFF80  }
0x4c: {  	v49 =	vld [tilespmem:$0x1F800]  }
0x4d: {  	v51 =	vld [tilespmem:$0x1F880]  }
0x4e: {  	v54 =	vld.idx.msk [tilespmem:v0+s10+$0x0], $0xffff  }
0x4f: {  	v61 =	vld [tilespmem:$0x1F810]  }
0x50: {  	v13 =	vld [tilespmem:$0x1F820]  }
0x51: {  	v28 =	vld [tilespmem:$0x1F830]  }
0x52: {  	vm0 =	veq.f32 v51, $1.000000000e+00;
	v51 =	vld [tilespmem:$0x1FFB0]  }
0x53: {  	v57 =	vld.idx.msk [tilespmem:v1+s10+$0x0], $0xffff  }
0x54: {  	v1 =	vld [tilespmem:$0x1FDC0]  }
0x55: {  	v2 =	vld.idx.msk [tilespmem:v2+s10+$0x0], $0xffff  }
0x56: {  	v4 =	vld.idx.msk [tilespmem:v4+s10+$0x0], $0xffff  }
0x57: {  	v6 =	vld.idx.msk [tilespmem:v6+s10+$0x0], $0xffff  }
0x58: {  	v9 =	vld.idx.msk [tilespmem:v9+s10+$0x0], $0xffff  }
0x59: {  	v11 =	vld.idx.msk [tilespmem:v11+s10+$0x0], $0xffff  }
0x5a: {  	v12 =	vld.idx.msk [tilespmem:v12+s10+$0x0], $0xffff  }
0x5b: {  	v15 =	vld.idx.msk [tilespmem:v15+s10+$0x0], $0xffff  }
0x5c: {  	v17 =	vld.idx.msk [tilespmem:v17+s10+$0x0], $0xffff  }
0x5d: {  	v18 =	vld.idx.msk [tilespmem:v18+s10+$0x0], $0xffff  }
0x5e: {  	v21 =	vld.idx.msk [tilespmem:v21+s10+$0x0], $0xffff  }
0x5f: {  	v24 =	vld.idx.msk [tilespmem:v24+s10+$0x0], $0xffff  }
0x60: {  	v50 =	vadd.s32 $0x4000, v49;
	v25 =	vld.idx.msk [tilespmem:v25+s10+$0x0], $0xffff  }
0x61: {  	v52 =	vadd.s32 $0x8000, v49;
	v27 =	vld.idx.msk [tilespmem:v27+s10+$0x0], $0xffff  }
0x62: {  	v55 =	vadd.s32 $0xC000, v49;
	v53 =	vld.idx.msk [tilespmem:v49+s2+$0x0], $0xffff  }
0x63: {  	v30 =	vadd.s32 $0x10000, v49;
	v5 =	vld.idx.msk [tilespmem:v61+s2+$0x0], $0xffff  }
0x64: {  	v20 =	vld.idx.msk [tilespmem:v13+s2+$0x0], $0xffff  }
0x65: {  	v32 =	vadd.s32 $0x4000, v61;
	v56 =	vld.idx.msk [tilespmem:v50+s2+$0x0], $0xffff  }
0x66: {  	v33 =	vadd.s32 $0x8000, v61;
	v58 =	vld.idx.msk [tilespmem:v52+s2+$0x0], $0xffff  }
0x67: {  	v7 =	vadd.s32 $0xC000, v61;
	v55 =	vld.idx.msk [tilespmem:v55+s2+$0x0], $0xffff  }
0x68: {  	v34 =	vadd.s32 $0x10000, v61;
	v62 =	vld.idx.msk [tilespmem:v30+s2+$0x0], $0xffff  }
0x69: {  	v35 =	vadd.s32 $0x14000, v61;
	v52 =	vld [tilespmem:$0x1F890]  }
0x6a: {  	v8 =	vld.idx.msk [tilespmem:v32+s2+$0x0], $0xffff  }
0x6b: {  	v36 =	vadd.s32 $0x4000, v13;
	v10 =	vld.idx.msk [tilespmem:v33+s2+$0x0], $0xffff  }
0x6c: {  	v19 =	vadd.s32 $0x8000, v13;
	v7 =	vld.idx.msk [tilespmem:v7+s2+$0x0], $0xffff  }
0x6d: {  	v22 =	vadd.s32 $0xC000, v13;
	v14 =	vld.idx.msk [tilespmem:v34+s2+$0x0], $0xffff  }
0x6e: {  	v37 =	vadd.s32 $0x10000, v13;
	v16 =	vld.idx.msk [tilespmem:v35+s2+$0x0], $0xffff  }
0x6f: {  	v50 =	vld [tilespmem:$0x1F8A0]  }
0x70: {  	v26 =	vadd.s32 $0x14000, v13;
	v23 =	vld.idx.msk [tilespmem:v36+s2+$0x0], $0xffff  }
0x71: {  	v19 =	vld.idx.msk [tilespmem:v19+s2+$0x0], $0xffff  }
0x72: {  	v22 =	vld.idx.msk [tilespmem:v22+s2+$0x0], $0xffff  }
0x73: {  	v29 =	vld.idx.msk [tilespmem:v37+s2+$0x0], $0xffff  }
0x74: {  	v30 =	vld [tilespmem:$0x1FEC0]  }
0x75: {  	v31 =	vadd.s32 $0x14000, v49;
	v49 =	vadd.s32 $0x18000, v49;
	v26 =	vld.idx.msk [tilespmem:v26+s2+$0x0], $0xffff  }
0x76: {  	v61 =	vadd.s32 $0x18000, v61;
	v33 =	vld [tilespmem:$0x1FEE0]  }
0x77: {  	v13 =	vadd.s32 $0x18000, v13;
	v35 =	vld.idx.msk [tilespmem:v28+s2+$0x0], $0xffff  }
0x78: {  	v36 =	vld [tilespmem:$0x1FEF0]  }
0x79: {  	v37 =	vld [tilespmem:$0x1FF10]  }
0x7a: {  	v3 =	vld.idx.msk [tilespmem:v49+s2+$0x0], $0xffff  }
0x7b: {  	v32 =	vadd.s32 $0x4000, v28;
	v61 =	vld.idx.msk [tilespmem:v61+s2+$0x0], $0xffff  }
0x7c: {  	v34 =	vadd.s32 $0x8000, v28;
	v13 =	vld.idx.msk [tilespmem:v13+s2+$0x0], $0xffff  }
0x7d: {  	v49 =	vld [tilespmem:$0x1F8B0]  }
0x7e: {  	v59 =	vld.idx.msk [tilespmem:v1+s10+$0x0], $0xffff  }
0x7f: {  	v1 =	vld [tilespmem:$0x1FDD0]  }
0x80: {  	v32 =	vld.idx.msk [tilespmem:v32+s2+$0x0], $0xffff  }
0x81: {  	v34 =	vld.idx.msk [tilespmem:v34+s2+$0x0], $0xffff  }
0x82: {  	v14 =	vsub.f32 v14, v15;
	v15 =	vld [tilespmem:$0x1F850]  }
0x83: {  	v22 =	vsub.f32 v22, v27;
	v27 =	vld [tilespmem:$0x1FFA0]  }
0x84: {  	v53 =	vsub.f32 v53, v54;
	v54 =	vsub.f32 v56, v57;
	v30 =	vld.idx.msk [tilespmem:v30+s10+$0x0], $0xffff  }
0x85: {  	v5 =	vsub.f32 v5, v6;
	v57 =	vadd.s32 $0xC000, v28;
	v33 =	vld.idx.msk [tilespmem:v33+s10+$0x0], $0xffff  }
0x86: {  	v53 =	vmul.f32 v53, v53;
	v6 =	vsub.f32 v8, v9;
	v54 =	vmul.f32 v54, v54;
	v56 =	vld.idx.msk [tilespmem:v36+s10+$0x0], $0xffff  }
0x87: {  	v5 =	vmul.f32 v5, v5;
	v36 =	vld [tilespmem:$0x1FF00]  }
0x88: {  	v10 =	vsub.f32 v10, v11;
	v6 =	vmul.f32 v6, v6;
	v53 =	vadd.f32 v54, v53;
	v54 =	vld.idx.msk [tilespmem:v37+s10+$0x0], $0xffff  }
0x89: {  	v7 =	vsub.f32 v7, v12;
	v58 =	vsub.f32 v58, v59;
	v37 =	vld [tilespmem:$0x1F840]  }
0x8a: {  	v59 =	vadd.s32 $0x10000, v28;
	v5 =	vadd.f32 v6, v5;
	v6 =	vmul.f32 v10, v10;
	v57 =	vld.idx.msk [tilespmem:v57+s2+$0x0], $0xffff  }
0x8b: {  	v24 =	vsub.f32 v23, v24;
	v58 =	vmul.f32 v58, v58;
	v60 =	vld.idx.msk [tilespmem:v1+s10+$0x0], $0xffff  }
0x8c: {  	v16 =	vsub.f32 v16, v17;
	v5 =	vadd.f32 v6, v5;
	v6 =	vmul.f32 v7, v7;
	v1 =	vld [tilespmem:$0x1FDE0]  }
0x8d: {  	v25 =	vsub.f32 v19, v25;
	vm10 =	veq.f32 v52, $1.000000000e+00;
	v53 =	vadd.f32 v58, v53;
	v58 =	vld [tilespmem:$0x1FF20]  }
0x8e: {  	v3 =	vsub.f32 v3, v4;
	v4 =	vadd.f32 v6, v5;
	v23 =	vld.idx.msk [tilespmem:v15+s2+$0x0], $0xffff;
	v6 =	vadd.s32 $0x10000, v37  }
0x8f: {  	v17 =	vmul.f32 v25, v25;
	v59 =	vld.idx.msk [tilespmem:v59+s2+$0x0], $0xffff;
	v25 =	vadd.s32 $0x18000, v37;
	v52 =	vsub.f32 v34, v54  }
0x90: {  	v36 =	vld.idx.msk [tilespmem:v36+s10+$0x0], $0xffff  }
0x91: {  	v13 =	vsub.f32 v13, v33;
	v33 =	vsub.f32 v35, v56;
	v56 =	vmul.f32 v52, v52;
	v52 =	vld.idx.msk [tilespmem:v40+s10+$0x0], $0xffff  }
0x92: {  	v10 =	vld.idx.msk [tilespmem:v37+s2+$0x0], $0xffff  }
0x93: {  	v6 =	vld.idx.msk [tilespmem:v6+s2+$0x0], $0xffff  }
0x94: {  	v55 =	vsub.f32 v55, v60;
	v60 =	vadd.s32 $0x14000, v28;
	v25 =	vld.idx.msk [tilespmem:v25+s2+$0x0], $0xffff  }
0x95: {  	v63 =	vld.idx.msk [tilespmem:v1+s10+$0x0], $0xffff  }
0x96: {  	v1 =	vld.idx.msk [tilespmem:v31+s2+$0x0], $0xffff  }
0x97: {  	v28 =	vadd.s32 $0x18000, v28;
	v31 =	vld [tilespmem:$0x1FED0]  }
0x98: {  	v58 =	vld.idx.msk [tilespmem:v58+s10+$0x0], $0xffff  }
0x99: {  	v8 =	vld.idx.msk [tilespmem:v60+s2+$0x0], $0xffff  }
0x9a: {  	v60 =	vld [tilespmem:$0x1FF60]  }
0x9b: {  	v55 =	vmul.f32 v55, v55;
	v35 =	vsub.f32 v32, v36;
	v36 =	vld [tilespmem:$0x1FFD0]  }
0x9c: {  	v11 =	vld.idx.msk [tilespmem:v28+s2+$0x0], $0xffff  }
0x9d: {  	v53 =	vadd.f32 v55, v53;
	v55 =	vsub.f32 v62, v63;
	v62 =	vld [tilespmem:$0x1FF30]  }
0x9e: {  	v1 =	vsub.f32 v1, v2;
	v2 =	vld [tilespmem:$0x1FF40]  }
0x9f: {  	v57 =	vsub.f32 v57, v58;
	v58 =	vld [tilespmem:$0x1FFF0];
	v63 =	vmul.f32 v55, v55;
	v55 =	vadd.s32 $0x4000, v37  }
0xa0: {  	v31 =	vld.idx.msk [tilespmem:v31+s10+$0x0], $0xffff  }
0xa1: {  	v1 =	vmul.f32 v1, v1;
	v9 =	vadd.f32 v63, v53;
	v53 =	vld [tilespmem:$0x1FF50];
	v63 =	vsub.f32 v20, v21  }
0xa2: {  	v12 =	vld.idx.msk [tilespmem:v60+s10+$0x0], $0xffff;
	v60 =	vadd.s32 $0xC000, v37  }
0xa3: {  	v1 =	vadd.f32 v1, v9;
	v9 =	vmul.f32 v63, v63;
	v63 =	vmul.f32 v24, v24;
	v24 =	vld [tilespmem:$0x1FF80]  }
0xa4: {  	v7 =	vld.idx.msk [tilespmem:v55+s2+$0x0], $0xffff  }
0xa5: {  	v55 =	vld [tilespmem:$0x1FF70]  }
0xa6: {  	v62 =	vld.idx.msk [tilespmem:v62+s10+$0x0], $0xffff  }
0xa7: {  	v2 =	vld.idx.msk [tilespmem:v2+s10+$0x0], $0xffff;
	v9 =	vadd.f32 v63, v9  }
0xa8: {  	v14 =	vmul.f32 v14, v14;
	v3 =	vmul.f32 v3, v3;
	v19 =	vld.idx.msk [tilespmem:v60+s2+$0x0], $0xffff  }
0xa9: {  	v9 =	vadd.f32 v17, v9;
	v17 =	vld.idx.msk [tilespmem:v27+s10+$0x0], $0xffff  }
0xaa: {  	v1 =	vadd.f32 v3, v1;
	v3 =	vadd.f32 v14, v4;
	v60 =	vmul.f32 v16, v16;
	v16 =	vld.idx.msk [tilespmem:v51+s10+$0x0], $0xffff  }
0xab: {  	v28 =	vld.idx.msk [tilespmem:v53+s10+$0x0], $0xffff  }
0xac: {  	v53 =	vadd.s32 $0x8000, v37;
	v3 =	vadd.f32 v60, v3;
	v60 =	vld [tilespmem:$0x1FFC0]  }
0xad: {  	v51 =	vadd.s32 $0xC000, v15;
	v27 =	vmul.f32 v33, v33;
	v33 =	vld.idx.msk [tilespmem:v38+s10+$0x0], $0xffff  }
0xae: {  	v20 =	vld.idx.msk [tilespmem:v24+s10+$0x0], $0xffff  }
0xaf: {  	v21 =	vld.idx.msk [tilespmem:v55+s10+$0x0], $0xffff  }
0xb0: {  	v22 =	vmul.f32 v22, v22;
	v63 =	vsub.f32 v61, v18;
	v55 =	vld [tilespmem:$0x1FF90]  }
0xb1: {  	v5 =	vld.idx.msk [tilespmem:v53+s2+$0x0], $0xffff;
	v53 =	vadd.s32 $0x14000, v37  }
0xb2: {  	v54 =	vadd.s32 $0x10000, v15;
	v14 =	vmul.f32 v63, v63;
	v9 =	vadd.f32 v22, v9;
	v22 =	vld.idx.msk [tilespmem:v51+s2+$0x0], $0xffff  }
0xb3: {  	v37 =	vsub.f32 v29, v30;
	v30 =	vld.idx.msk [tilespmem:v36+s10+$0x0], $0xffff  }
0xb4: {  	v3 =	vadd.f32 v14, v3;
	v14 =	vld.idx.msk [tilespmem:v60+s10+$0x0], $0xffff  }
0xb5: {  	v4 =	vmul.f32 v37, v37;
	v7 =	vsub.f32 v7, v21;
	v60 =	vadd.s32 $0x14000, v15;
	v21 =	vld [tilespmem:$0x1F860]  }
0xb6: {  	v18 =	vld.idx.msk [tilespmem:v53+s2+$0x0], $0xffff;
	v53 =	vadd.s32 $0x4000, v15  }
0xb7: {  	v4 =	vadd.f32 v4, v9;
	v9 =	vld.idx.msk [tilespmem:v54+s2+$0x0], $0xffff  }
0xb8: {  	vm11 =	veq.f32 v50, $1.000000000e+00;
	vm12 =	veq.f32 v49, $1.000000000e+00;
	v10 =	vsub.f32 v10, v12;
	v24 =	vld.idx.msk [tilespmem:v55+s10+$0x0], $0xffff  }
0xb9: {  	v61 =	vadd.s32 $0x8000, v15;
	v15 =	vadd.s32 $0x18000, v15;
	v55 =	vsub.f32 v26, v31;
	v31 =	vld.idx.msk [tilespmem:v58+s10+$0x0], $0xffff  }
0xba: {  	v1 =	vnsel vm0, $0x0, v1;
	v10 =	vmul.f32 v10, v10;
	v2 =	vsub.f32 v8, v2;
	v12 =	vld.idx.msk [tilespmem:v60+s2+$0x0], $0xffff  }
0xbb: {  	v3 =	vnsel vm10, $0x0, v3;
	v29 =	vmul.f32 v35, v35;
	v37 =	vmul.f32 v13, v13;
	v13 =	vld.idx.msk [tilespmem:v53+s2+$0x0], $0xffff  }
0xbc: {  	v2 =	vmul.f32 v2, v2;
	v6 =	vsub.f32 v6, v17;
	v1 =	vadd.f32 v3, v1;
	v53 =	vld [tilespmem:$0x1FFE0]  }
0xbd: {  	v11 =	vsub.f32 v11, v28;
	v63 =	vmul.f32 v55, v55;
	v55 =	vadd.f32 v29, v27;
	v27 =	vld.idx.msk [tilespmem:v45+s10+$0x0], $0xffff  }
0xbe: {  	v6 =	vmul.f32 v6, v6;
	v7 =	vmul.f32 v7, v7;
	v5 =	vsub.f32 v5, v20;
	v15 =	vld.idx.msk [tilespmem:v15+s2+$0x0], $0xffff  }
0xbf: {  	v11 =	vmul.f32 v11, v11;
	v4 =	vadd.f32 v63, v4;
	v26 =	vadd.f32 v56, v55;
	v56 =	vld.idx.msk [tilespmem:v42+s10+$0x0], $0xffff  }
0xc0: {  	v7 =	vadd.f32 v7, v10;
	v5 =	vmul.f32 v5, v5;
	v51 =	vadd.s32 $0x4000, v21;
	v55 =	vld.idx.msk [tilespmem:v21+s2+$0x0], $0xffff  }
0xc1: {  	v54 =	vadd.s32 $0x8000, v21;
	v63 =	vsub.f32 v59, v62;
	v3 =	vadd.f32 v37, v4;
	v4 =	vld.idx.msk [tilespmem:v61+s2+$0x0], $0xffff  }
0xc2: {  	v25 =	vsub.f32 v25, v14;
	v29 =	vadd.s32 $0x18000, v21;
	v5 =	vadd.f32 v5, v7;
	v37 =	vld.idx.msk [tilespmem:v39+s10+$0x0], $0xffff  }
0xc3: {  	v59 =	vadd.s32 $0x10000, v21;
	v61 =	vmul.f32 v57, v57;
	v36 =	vmul.f32 v63, v63;
	v63 =	vld.idx.msk [tilespmem:v44+s10+$0x0], $0xffff  }
0xc4: {  	v16 =	vsub.f32 v18, v16;
	v62 =	vsub.f32 v23, v30;
	v57 =	vadd.s32 $0xC000, v21;
	v32 =	vld.idx.msk [tilespmem:v53+s10+$0x0], $0xffff  }
0xc5: {  	v30 =	vsub.f32 v22, v33;
	v58 =	vld.idx.msk [tilespmem:v51+s2+$0x0], $0xffff;
	v26 =	vadd.f32 v61, v26;
	v3 =	vnsel vm11, $0x0, v3  }
0xc6: {  	v19 =	vsub.f32 v19, v24;
	v60 =	vmul.f32 v16, v16;
	v1 =	vadd.f32 v3, v1;
	v3 =	vld.idx.msk [tilespmem:v43+s10+$0x0], $0xffff  }
0xc7: {  	v61 =	vld.idx.msk [tilespmem:v54+s2+$0x0], $0xffff;
	v8 =	vadd.f32 v36, v26;
	v26 =	vadd.s32 $0x14000, v21;
	v7 =	vsub.f32 v55, v56  }
0xc8: {  	v16 =	vmul.f32 v62, v62;
	v28 =	vld.idx.msk [tilespmem:v59+s2+$0x0], $0xffff;
	v4 =	vsub.f32 v4, v31;
	v9 =	vsub.f32 v9, v37  }
0xc9: {  	v33 =	vmul.f32 v30, v30;
	v2 =	vadd.f32 v2, v8;
	v8 =	vld.idx.msk [tilespmem:v57+s2+$0x0], $0xffff;
	v13 =	vsub.f32 v13, v32  }
0xca: {  	v36 =	vld.idx.msk [tilespmem:v47+s10+$0x0], $0xffff;
	v37 =	vsub.f32 v12, v52;
	v53 =	vmul.f32 v19, v19;
	v7 =	vmul.f32 v7, v7  }
0xcb: {  	v31 =	vld.idx.msk [tilespmem:v46+s10+$0x0], $0xffff;
	v4 =	vmul.f32 v4, v4;
	v3 =	vsub.f32 v58, v3;
	v13 =	vmul.f32 v13, v13  }
0xcc: {  	v9 =	vmul.f32 v9, v9;
	v5 =	vadd.f32 v53, v5;
	v2 =	vadd.f32 v11, v2;
	v34 =	vld.idx.msk [tilespmem:v26+s2+$0x0], $0xffff  }
0xcd: {  	v11 =	vsub.f32 v61, v63;
	v3 =	vmul.f32 v3, v3;
	v32 =	vld.idx.msk [tilespmem:v41+s10+$0x0], $0xffff;
	v13 =	vadd.f32 v13, v16  }
0xce: {  	v50 =	vld.idx.msk [tilespmem:v29+s2+$0x0], $0xffff;
	v56 =	vmul.f32 v37, v37;
	v5 =	vadd.f32 v6, v5;
	v8 =	vsub.f32 v8, v27  }
0xcf: {  	v53 =	vld.idx.msk [tilespmem:v48+s10+$0x0], $0xffff;
	v35 =	vmul.f32 v11, v11;
	v3 =	vadd.f32 v3, v7;
	v4 =	vadd.f32 v4, v13  }
0xd0: {  	v52 =	vsub.f32 v28, v31;
	v6 =	vmul.f32 v25, v25;
	v5 =	vadd.f32 v60, v5  }
0xd1: {  	v55 =	vld [tilespmem:$0x1F8C0];
	v51 =	vmul.f32 v8, v8;
	v3 =	vadd.f32 v35, v3;
	v4 =	vadd.f32 v33, v4  }
0xd2: {  	v2 =	vnsel vm12, $0x0, v2;
	v57 =	vsub.f32 v34, v36;
	v54 =	vsub.f32 v15, v32  }
0xd3: {  	v58 =	vld [tilespmem:$0x1F8D0];
	v8 =	vmul.f32 v52, v52;
	v3 =	vadd.f32 v51, v3;
	v4 =	vadd.f32 v9, v4  }
0xd4: {  	v60 =	vsub.f32 v50, v53;
	v5 =	vadd.f32 v6, v5;
	v6 =	vmul.f32 v57, v57  }
0xd5: {  	v61 =	vld [tilespmem:$0x1F8E0];
	v3 =	vadd.f32 v8, v3;
	v59 =	vmul.f32 v54, v54;
	v4 =	vadd.f32 v56, v4  }
0xd6: {  	vm13 =	veq.f32 v55, $1.000000000e+00;
	v1 =	vadd.f32 v2, v1;
	v63 =	vmul.f32 v60, v60  }
0xd7: {  	v62 =	vnsel vm13, $0x0, v5;
	v3 =	vadd.f32 v6, v3;
	v2 =	vadd.f32 v59, v4  }
0xd8: {  	vm14 =	veq.f32 v58, $1.000000000e+00;
	v1 =	vadd.f32 v62, v1  }
0xd9: {  	v3 =	vadd.f32 v63, v3;
	v2 =	vnsel vm14, $0x0, v2  }
0xda: {  	vm15 =	veq.f32 v61, $1.000000000e+00;
	v1 =	vadd.f32 v2, v1  }
0xdb: {  	v2 =	vnsel vm15, $0x0, v3  }
0xdc: {  	v1 =	vadd.f32 v2, v1;
	_ =	sdelay $0x1  }
0xdd: {  	(xrf2) =	vadd.scan.msk.f32 $0xffff, v1;
	_ =	sdelay $0x9  }
0xde: {  	v1, _, _ =	vpop (xrf2)  }
0xdf: {  	v1 =	vbroadcast v1, $0xF  }
0xe0: {  	p0 =	sne.s32 s8, $0x1  }
.Ltmp1:
0xe1: {  	[tilespmem:$0x1F900] =	vst v1;
	(pc) =	sbr.rel @p0 .LBB2_2-.Ltmp1, $4  }
0xe2: {  	[hbm4b:s6+s2] =	stream.linear.scatter [tilespmem:s13], [sflag:$0x1], $0x80, $0x38;
	[tilespmem:$0x1F980] =	vst v63  }
0xe3: {  	_ =	swait.ge [sflag:s9], $0x80  }
0xe4: {  	[sflag:s9] =	ssyncset.done $0x0  }
0xe5: {  	s8 =	sadd.s32 $0xFFFFFFFF, s8;
	[sflag:s9] =	ssyncadd.s32 $0xFFFFFF80  }
.LBB2_3:
0xe6: {  	_ =	sfence.sel $0x180000  }
0xe7: {  	[bflag:$0x0] =	sbarrier.arrive $0xFFFF  }
0xe8: {  	p0 =	sne.s32 s1, $0x0;
	_ =	strace $0x90000047  }
0xe9: {  	s0 =	sadd.s32 @!p0 $0x100000, s0;
	[bflag:$0x2] =	sbarrier.arrive $0xFFFF  }
0xea: {  	[sflag:s0] =	ssyncadd.tile.s32 @!p0 $0x1;
	_ =	shalt  }
.Lfunc_end2:
_tile_overlayer_lowered:
.L_overlay_start_2:
0xeb: {  	(tag) =	ssettag $0x2  }
0xec: {  	s0 =	rddreg [dreg:$0x0];
	s2 =	stileid.u32  }
0xed: {  	s1 =	rddreg [dreg:$0x1];
	p0 =	sne.s32 s2, $0x0  }
0xee: {  	s3 =	rddreg [dreg:$0x2];
	[bflag:$0x3] =	sbarrier.arrive $0xFFFF;
	s2 =	simm.s32 @!p0 $0x1C01  }
0xef: {  	[timem:s3], [sflag:s2] =	dma.local @!p0 [hbm:s0], s1  }
0xf0: {  	s0 =	simm.s32 @!p0 $0x1  }
0xf1: {  	_ =	swait.ge @!p0 [sflag:s0], s1  }
0xf2: {  	s1 =	ssub.s32 @!p0 $0x0, s1;
	[sflag:s0] =	ssyncset.done @!p0 $0x0  }
0xf3: {  	[sflag:s0] =	ssyncadd.s32 @!p0 s1  }
0xf4: {  	[bflag:$0x3] =	sbarrier.arrive $0xFFFF  }
0xf5: {  	_ =	shalt  }

</sc_bundles>
